<compile_context>
chip_gen: v7x
topology: tpu7x:2x2x1
jax: 0.10.2.dev20260603
libtpu: 0.0.44.dev20260713+nightly
codegen_flags: <defaults>
</compile_context>

<pallas_src>
import jax
import jax.numpy as jnp
from jax import lax
from jax.experimental import pallas as pl
from jax.experimental.pallas import tpu as pltpu
from jax.experimental.pallas import tpu_sc as plsc

NC = 2
NS = 16
NW = NC * NS
L = 16
RW = 128
PAD = 16


def _leaky(z):
    return jnp.maximum(z, z * 0.2)


def _pre_body(x_ref, w_ref, att2_ref, e_ref,
              as_ref, ad_ref, sp_ref, e4_ref):
    wv = jnp.dot(w_ref[...], att2_ref[...], preferred_element_type=jnp.float32)
    t2 = lax.dot_general(wv, x_ref[...], (((0,), (1,)), ((), ())),
                         preferred_element_type=jnp.float32)
    a_s = t2[0, :]
    a_d = t2[1, :]
    n = x_ref.shape[0]
    tail = jnp.zeros((PAD,), jnp.float32)
    as_ref[pl.ds(0, n)] = a_s
    as_ref[pl.ds(n, PAD)] = tail
    ad_ref[pl.ds(0, n)] = a_d
    ad_ref[pl.ds(n, PAD)] = tail
    sp_ref[pl.ds(0, n)] = jnp.exp(_leaky(a_s + a_d))
    sp_ref[pl.ds(n, PAD)] = tail
    e = e_ref[...]
    rows = e.shape[1] // RW
    prows = e4_ref.shape[1]
    e4_ref[:, pl.ds(0, rows), :] = e.reshape(2, rows, RW)
    e4_ref[:, pl.ds(rows, prows - rows), :] = jnp.full(
        (2, prows - rows, RW), n, jnp.int32)


def _tc_pre(x, W, att2, edge_index, ch):
    np_ = x.shape[0] + PAD
    return pl.pallas_call(
        _pre_body,
        out_shape=(
            jax.ShapeDtypeStruct((np_,), jnp.float32),
            jax.ShapeDtypeStruct((np_,), jnp.float32),
            jax.ShapeDtypeStruct((np_,), jnp.float32),
            jax.ShapeDtypeStruct((2, NW * ch, RW), jnp.int32),
        ),
    )(x, W, att2, edge_index)


def _post_body(wp_ref, sp_ref, selfp_ref, x_ref, w_ref, bias_ref, out_ref):
    selfp = selfp_ref[...].reshape(1, -1)
    s_tot = sp_ref[0, :, :] + sp_ref[1, :, :]
    wvec = wp_ref[0, :, :] + wp_ref[1, :, :] + selfp / s_tot
    n = x_ref.shape[0]
    t = jnp.dot(wvec[:, :n], x_ref[...], preferred_element_type=jnp.float32)
    o = jnp.dot(t, w_ref[...], preferred_element_type=jnp.float32)
    out_ref[...] = o * (1.0 / n) + bias_ref[...].reshape(1, -1)


def _tc_post(w_part, s_part, selfp, x, W, bias):
    return pl.pallas_call(
        _post_body,
        out_shape=jax.ShapeDtypeStruct((1, W.shape[1]), jnp.float32),
    )(w_part, s_part, selfp, x, W, bias)


def _sc1_body(edge4, asrc_hbm, adst_hbm, selfp_hbm, zeros_hbm,
              s_part, p_out,
              src_v, dst_v, asrc_v, adst_v, p_v, s_sh, sem):
    c = lax.axis_index("c")
    s = lax.axis_index("s")
    ch = src_v.shape[0]
    wid = c * NS + s

    d1 = pltpu.async_copy(edge4.at[0, pl.ds(wid * ch, ch)], src_v, sem)
    d2 = pltpu.async_copy(edge4.at[1, pl.ds(wid * ch, ch)], dst_v, sem)
    d3 = pltpu.async_copy(asrc_hbm, asrc_v, sem)
    d4 = pltpu.async_copy(adst_hbm, adst_v, sem)

    @pl.when((s == 0) & (c == 0))
    def _():
        pltpu.sync_copy(selfp_hbm, s_sh)

    @pl.when((s == 0) & (c == 1))
    def _():
        pltpu.sync_copy(zeros_hbm, s_sh)

    d1.wait()
    d2.wait()
    d3.wait()
    d4.wait()
    plsc.subcore_barrier()

    def fire(j, carry):
        for g in range(RW // L):
            sl = pl.ds(g * L, L)
            i_s = src_v[j, sl]
            i_d = dst_v[j, sl]
            z = i_s.astype(jnp.float32) + i_d.astype(jnp.float32)
            p_v[j, sl] = jnp.exp(_leaky(z))
        return carry

    lax.fori_loop(0, ch, fire, 0)

    pltpu.sync_copy(p_v, p_out.at[pl.ds(wid * ch, ch)])
    plsc.subcore_barrier()

    @pl.when(s == 0)
    def _():
        pltpu.sync_copy(s_sh, s_part.at[c, 0])


def _sc2_body(edge4, pm, sp_hbm, zeros_hbm,
              w_part,
              src_v, dst_v, p_v, s_v, sb_v, w_sh, sem):
    c = lax.axis_index("c")
    s = lax.axis_index("s")
    ch = src_v.shape[0]
    np_ = sp_hbm.shape[2]
    wid = c * NS + s

    d1 = pltpu.async_copy(edge4.at[0, pl.ds(wid * ch, ch)], src_v, sem)
    d2 = pltpu.async_copy(edge4.at[1, pl.ds(wid * ch, ch)], dst_v, sem)
    d3 = pltpu.async_copy(pm.at[pl.ds(wid * ch, ch)], p_v, sem)
    d4 = pltpu.async_copy(sp_hbm, sb_v, sem)

    @pl.when(s == 0)
    def _():
        pltpu.sync_copy(zeros_hbm, w_sh)

    d1.wait()
    d2.wait()
    d3.wait()
    d4.wait()

    def sbody(i, carry):
        sl = pl.ds(i * L, L)
        s_v[sl] = sb_v[0, 0, sl] + sb_v[1, 0, sl]
        return carry

    lax.fori_loop(0, np_ // L, sbody, 0)
    plsc.subcore_barrier()

    def fire(j, carry):
        for g in range(RW // L):
            sl = pl.ds(g * L, L)
            i_d = dst_v[j, sl]
            denom = i_d.astype(jnp.float32) + 1.0
            p_v[j, sl] = p_v[j, sl] / denom
        return carry

    lax.fori_loop(0, ch, fire, 0)
    plsc.subcore_barrier()

    @pl.when(s == 0)
    def _():
        pltpu.sync_copy(w_sh, w_part.at[c, 0])


def _sc_pass1(edge4, a_src, a_dst, selfp, zeros):
    np_ = a_src.shape[0]
    ch = edge4.shape[1] // NW
    mesh = plsc.VectorSubcoreMesh(core_axis_name="c", subcore_axis_name="s")
    f = pl.kernel(
        _sc1_body,
        out_type=(
            jax.ShapeDtypeStruct((NC, 1, np_), jnp.float32),
            jax.ShapeDtypeStruct((edge4.shape[1], RW), jnp.float32),
        ),
        mesh=mesh,
        scratch_types=[
            pltpu.VMEM((ch, RW), jnp.int32),
            pltpu.VMEM((ch, RW), jnp.int32),
            pltpu.VMEM((np_,), jnp.float32),
            pltpu.VMEM((np_,), jnp.float32),
            pltpu.VMEM((ch, RW), jnp.float32),
            pltpu.VMEM_SHARED((np_,), jnp.float32),
            pltpu.SemaphoreType.DMA,
        ],
        compiler_params=pltpu.CompilerParams(needs_layout_passes=False),
    )
    return f(edge4, a_src, a_dst, selfp, zeros)


def _sc_pass2(edge4, p, s_part, zeros):
    np_ = s_part.shape[2]
    ch = edge4.shape[1] // NW
    mesh = plsc.VectorSubcoreMesh(core_axis_name="c", subcore_axis_name="s")
    f = pl.kernel(
        _sc2_body,
        out_type=jax.ShapeDtypeStruct((NC, 1, np_), jnp.float32),
        mesh=mesh,
        scratch_types=[
            pltpu.VMEM((ch, RW), jnp.int32),
            pltpu.VMEM((ch, RW), jnp.int32),
            pltpu.VMEM((ch, RW), jnp.float32),
            pltpu.VMEM((np_,), jnp.float32),
            pltpu.VMEM((NC, 1, np_), jnp.float32),
            pltpu.VMEM_SHARED((np_,), jnp.float32),
            pltpu.SemaphoreType.DMA,
        ],
        compiler_params=pltpu.CompilerParams(needs_layout_passes=False),
    )
    return f(edge4, p, s_part, zeros)


def kernel(x, edge_index, W, att_src, att_dst, bias):
    n = x.shape[0]
    e = edge_index.shape[1]
    assert n % L == 0

    att2 = jnp.stack([att_src, att_dst], axis=1)
    assert e % RW == 0
    ch = -(-(e // RW) // (NW * 8)) * 8
    a_src, a_dst, selfp, edge4 = _tc_pre(x, W, att2, edge_index, ch)
    zeros = jnp.zeros((n + PAD,), jnp.float32)

    s_part, p = _sc_pass1(edge4, a_src, a_dst, selfp, zeros)
    w_part = _sc_pass2(edge4, p, s_part, zeros)

    return _tc_post(w_part, s_part, selfp, x, W, bias)

# --- scband reference (transcript-rebuilt; emitter-appended) ---
"""Pipeline reference for scband-gatconv-wrapper-75900662055241 (READ-ONLY COPY).

The authoritative reference and input builder live on the scoring server;
editing this copy changes nothing except your own understanding.
"""

import jax, jax.numpy as jnp
import numpy as np

N = 10000
E = 320000
F_IN = 128
F_OUT = 128


def setup_inputs(seed: int = 0) -> dict:
    key = jax.random.key(seed)
    k1, k2, k3, k4, k5 = jax.random.split(key, 5)
    x = jax.random.normal(k1, (N, F_IN), dtype=jnp.float32)
    edge_index = jax.random.randint(k2, (2, E), 0, N, dtype=jnp.int32)
    W = jax.random.normal(k3, (F_IN, F_OUT), dtype=jnp.float32) * (1.0 / np.sqrt(F_IN))
    att_src = jax.random.normal(k4, (F_OUT,), dtype=jnp.float32) * 0.1
    att_dst = jax.random.normal(k5, (F_OUT,), dtype=jnp.float32) * 0.1
    bias = jnp.zeros((F_OUT,), dtype=jnp.float32)
    return {"x": x, "edge_index": edge_index, "W": W, "att_src": att_src, "att_dst": att_dst, "bias": bias}


def _gat_forward(x, W, att_src, att_dst, bias, edge_index):
    n = x.shape[0]
    # PyG GATConv default: add self-loops
    loops = jnp.arange(n, dtype=edge_index.dtype)
    src = jnp.concatenate([edge_index[0], loops])
    dst = jnp.concatenate([edge_index[1], loops])
    # linear transform (single head)
    h = x @ W                                   # [N, F_OUT]
    # per-node attention logits
    a_src = jnp.sum(h * att_src, axis=-1)       # [N]
    a_dst = jnp.sum(h * att_dst, axis=-1)       # [N]
    # per-edge logits (gather)
    e = a_src[src] + a_dst[dst]                 # [E']
    e = jax.nn.leaky_relu(e, negative_slope=0.2)
    # softmax over incoming edges of each dst node (segment ops)
    e_max = jax.ops.segment_max(e, dst, num_segments=n)
    e_exp = jnp.exp(e - e_max[dst])
    denom = jax.ops.segment_sum(e_exp, dst, num_segments=n)
    alpha = e_exp / denom[dst]
    # weighted aggregation (gather + scatter-add)
    out = jax.ops.segment_sum(alpha[:, None] * h[src], dst, num_segments=n)
    out = out + bias
    # wrapper: mean over nodes, keepdim
    return jnp.mean(out, axis=0, keepdims=True)


def reference(x, edge_index, W, att_src, att_dst, bias):
    return _gat_forward(x, W, att_src, att_dst, bias, edge_index)

if __name__ == "__main__":
    import jax
    _d = setup_inputs()
    print(jax.jit(kernel)(*tuple(_d.values())))

</pallas_src>

<mosaic_0001>
#map = affine_map<(d0, d1) -> (0, 0, 0)>
#map1 = affine_map<(d0, d1) -> (0)>
#map2 = affine_map<(d0, d1) -> (0, 0)>
module attributes {stable_mosaic.version = 14 : i64} {
  func.func @_sc1_body(%arg0: i32, %arg1: i32, %arg2: memref<2x2560x128xi32, #tpu.memory_space<hbm>>, %arg3: memref<10016xf32, #tpu.memory_space<hbm>>, %arg4: memref<10016xf32, #tpu.memory_space<hbm>>, %arg5: memref<10016xf32, #tpu.memory_space<hbm>>, %arg6: memref<10016xf32, #tpu.memory_space<hbm>>, %arg7: memref<2x1x10016xf32, #tpu.memory_space<hbm>>, %arg8: memref<2560x128xf32, #tpu.memory_space<hbm>>, %arg9: memref<80x128xi32, #tpu.memory_space<vmem>>, %arg10: memref<80x128xi32, #tpu.memory_space<vmem>>, %arg11: memref<10016xf32, #tpu.memory_space<vmem>>, %arg12: memref<10016xf32, #tpu.memory_space<vmem>>, %arg13: memref<80x128xf32, #tpu.memory_space<vmem>>, %arg14: memref<10016xf32, #tpu.memory_space<vmem_shared>>, %arg15: memref<!tpu.dma_semaphore, #tpu.memory_space<semaphore_mem>>) attributes {dimension_semantics = [#tpu.dimension_semantics<core_parallel>, #tpu.dimension_semantics<subcore_parallel>], iteration_bounds = array<i64: 2, 16>, scalar_prefetch = 0 : i64, scratch_operands = 7 : i64, tpu.core_type = #tpu.core_type<sc_vector_subcore>, window_params = [{transform_indices = #map}, {transform_indices = #map1}, {transform_indices = #map1}, {transform_indices = #map1}, {transform_indices = #map1}, {transform_indices = #map}, {transform_indices = #map2}]} {
    %mul3A = arith.constant 16 : i32
    %mul3A_0 = arith.muli %arg0, %mul3A : i32
    %add3A = arith.addi %mul3A_0, %arg1 : i32
    %mul3A_1 = arith.constant 80 : i32
    %mul3A_2 = arith.muli %add3A, %mul3A_1 : i32
    %dma_start3A = arith.constant 0 : i32
    %dma_start3A_3 = arith.constant 0 : i32
    %dma_start3A_4 = tpu.memref_slice %arg2[%dma_start3A, %mul3A_2, %dma_start3A_3] : memref<2x2560x128xi32, #tpu.memory_space<hbm>> -> memref<1x80x128xi32, #tpu.memory_space<hbm>>
    %dma_start3A_5 = tpu.memref_squeeze %dma_start3A_4 : memref<1x80x128xi32, #tpu.memory_space<hbm>> -> memref<80x128xi32, #tpu.memory_space<hbm>>
    %dma_start3A_6 = arith.constant 0 : i32
    %dma_start3A_7 = tpu.memref_slice %arg2[%dma_start3A, %mul3A_2, %dma_start3A_6] : memref<2x2560x128xi32, #tpu.memory_space<hbm>> -> memref<1x80x128xi32, #tpu.memory_space<hbm>>
    %dma_start3A_8 = tpu.memref_squeeze %dma_start3A_7 : memref<1x80x128xi32, #tpu.memory_space<hbm>> -> memref<80x128xi32, #tpu.memory_space<hbm>>
    tpu.enqueue_dma source(%dma_start3A_8 : memref<80x128xi32, #tpu.memory_space<hbm>>) target(%arg9 : memref<80x128xi32, #tpu.memory_space<vmem>>) target_semaphore(%arg15 : memref<!tpu.dma_semaphore, #tpu.memory_space<semaphore_mem>>)
    %mul3A_9 = arith.constant 80 : i32
    %mul3A_10 = arith.muli %add3A, %mul3A_9 : i32
    %dma_start3A_11 = arith.constant 1 : i32
    %dma_start3A_12 = arith.constant 0 : i32
    %dma_start3A_13 = tpu.memref_slice %arg2[%dma_start3A_11, %mul3A_10, %dma_start3A_12] : memref<2x2560x128xi32, #tpu.memory_space<hbm>> -> memref<1x80x128xi32, #tpu.memory_space<hbm>>
    %dma_start3A_14 = tpu.memref_squeeze %dma_start3A_13 : memref<1x80x128xi32, #tpu.memory_space<hbm>> -> memref<80x128xi32, #tpu.memory_space<hbm>>
    %dma_start3A_15 = arith.constant 0 : i32
    %dma_start3A_16 = tpu.memref_slice %arg2[%dma_start3A_11, %mul3A_10, %dma_start3A_15] : memref<2x2560x128xi32, #tpu.memory_space<hbm>> -> memref<1x80x128xi32, #tpu.memory_space<hbm>>
    %dma_start3A_17 = tpu.memref_squeeze %dma_start3A_16 : memref<1x80x128xi32, #tpu.memory_space<hbm>> -> memref<80x128xi32, #tpu.memory_space<hbm>>
    tpu.enqueue_dma source(%dma_start3A_17 : memref<80x128xi32, #tpu.memory_space<hbm>>) target(%arg10 : memref<80x128xi32, #tpu.memory_space<vmem>>) target_semaphore(%arg15 : memref<!tpu.dma_semaphore, #tpu.memory_space<semaphore_mem>>)
    tpu.enqueue_dma source(%arg3 : memref<10016xf32, #tpu.memory_space<hbm>>) target(%arg11 : memref<10016xf32, #tpu.memory_space<vmem>>) target_semaphore(%arg15 : memref<!tpu.dma_semaphore, #tpu.memory_space<semaphore_mem>>)
    tpu.enqueue_dma source(%arg4 : memref<10016xf32, #tpu.memory_space<hbm>>) target(%arg12 : memref<10016xf32, #tpu.memory_space<vmem>>) target_semaphore(%arg15 : memref<!tpu.dma_semaphore, #tpu.memory_space<semaphore_mem>>)
    %eq3A = arith.constant 0 : i32
    %eq3A_18 = arith.cmpi eq, %arg1, %eq3A : i32
    %eq3A_19 = arith.constant 0 : i32
    %eq3A_20 = arith.cmpi eq, %arg0, %eq3A_19 : i32
    %and3A = arith.andi %eq3A_18, %eq3A_20 : i1
    %convert_element_type3A = arith.extui %and3A : i1 to i32
    %cond3A = arith.constant 0 : i32
    %cond3A_21 = arith.cmpi ne, %convert_element_type3A, %cond3A : i32
    scf.if %cond3A_21 {
      "tpu.region"() ({
        %run_scoped3A = tpu.sem_alloc : memref<!tpu.dma_semaphore, #tpu.memory_space<semaphore_mem>>
        tpu.enqueue_dma source(%arg5 : memref<10016xf32, #tpu.memory_space<hbm>>) target(%arg14 : memref<10016xf32, #tpu.memory_space<vmem_shared>>) target_semaphore(%run_scoped3A : memref<!tpu.dma_semaphore, #tpu.memory_space<semaphore_mem>>)
        tpu.wait_dma2 semaphore(%run_scoped3A : memref<!tpu.dma_semaphore, #tpu.memory_space<semaphore_mem>>) src(%arg5 : memref<10016xf32, #tpu.memory_space<hbm>>) dst(%arg14 : memref<10016xf32, #tpu.memory_space<vmem_shared>>)
        tpu.yield
      }) : () -> ()
    } else {
    }
    %eq3A_22 = arith.constant 0 : i32
    %eq3A_23 = arith.cmpi eq, %arg1, %eq3A_22 : i32
    %eq3A_24 = arith.constant 1 : i32
    %eq3A_25 = arith.cmpi eq, %arg0, %eq3A_24 : i32
    %and3A_26 = arith.andi %eq3A_23, %eq3A_25 : i1
    %convert_element_type3A_27 = arith.extui %and3A_26 : i1 to i32
    %cond3A_28 = arith.constant 0 : i32
    %cond3A_29 = arith.cmpi ne, %convert_element_type3A_27, %cond3A_28 : i32
    scf.if %cond3A_29 {
      "tpu.region"() ({
        %run_scoped3A = tpu.sem_alloc : memref<!tpu.dma_semaphore, #tpu.memory_space<semaphore_mem>>
        tpu.enqueue_dma source(%arg6 : memref<10016xf32, #tpu.memory_space<hbm>>) target(%arg14 : memref<10016xf32, #tpu.memory_space<vmem_shared>>) target_semaphore(%run_scoped3A : memref<!tpu.dma_semaphore, #tpu.memory_space<semaphore_mem>>)
        tpu.wait_dma2 semaphore(%run_scoped3A : memref<!tpu.dma_semaphore, #tpu.memory_space<semaphore_mem>>) src(%arg6 : memref<10016xf32, #tpu.memory_space<hbm>>) dst(%arg14 : memref<10016xf32, #tpu.memory_space<vmem_shared>>)
        tpu.yield
      }) : () -> ()
    } else {
    }
    %dma_wait3A = arith.constant 0 : i32
    %dma_wait3A_30 = arith.constant 0 : i32
    %dma_wait3A_31 = tpu.memref_slice %arg2[%dma_wait3A, %mul3A_2, %dma_wait3A_30] : memref<2x2560x128xi32, #tpu.memory_space<hbm>> -> memref<1x80x128xi32, #tpu.memory_space<hbm>>
    %dma_wait3A_32 = tpu.memref_squeeze %dma_wait3A_31 : memref<1x80x128xi32, #tpu.memory_space<hbm>> -> memref<80x128xi32, #tpu.memory_space<hbm>>
    %dma_wait3A_33 = arith.constant 0 : i32
    %dma_wait3A_34 = tpu.memref_slice %arg2[%dma_wait3A, %mul3A_2, %dma_wait3A_33] : memref<2x2560x128xi32, #tpu.memory_space<hbm>> -> memref<1x80x128xi32, #tpu.memory_space<hbm>>
    %dma_wait3A_35 = tpu.memref_squeeze %dma_wait3A_34 : memref<1x80x128xi32, #tpu.memory_space<hbm>> -> memref<80x128xi32, #tpu.memory_space<hbm>>
    tpu.wait_dma2 semaphore(%arg15 : memref<!tpu.dma_semaphore, #tpu.memory_space<semaphore_mem>>) src(%dma_wait3A_35 : memref<80x128xi32, #tpu.memory_space<hbm>>) dst(%arg9 : memref<80x128xi32, #tpu.memory_space<vmem>>)
    %dma_wait3A_36 = arith.constant 1 : i32
    %dma_wait3A_37 = arith.constant 0 : i32
    %dma_wait3A_38 = tpu.memref_slice %arg2[%dma_wait3A_36, %mul3A_10, %dma_wait3A_37] : memref<2x2560x128xi32, #tpu.memory_space<hbm>> -> memref<1x80x128xi32, #tpu.memory_space<hbm>>
    %dma_wait3A_39 = tpu.memref_squeeze %dma_wait3A_38 : memref<1x80x128xi32, #tpu.memory_space<hbm>> -> memref<80x128xi32, #tpu.memory_space<hbm>>
    %dma_wait3A_40 = arith.constant 0 : i32
    %dma_wait3A_41 = tpu.memref_slice %arg2[%dma_wait3A_36, %mul3A_10, %dma_wait3A_40] : memref<2x2560x128xi32, #tpu.memory_space<hbm>> -> memref<1x80x128xi32, #tpu.memory_space<hbm>>
    %dma_wait3A_42 = tpu.memref_squeeze %dma_wait3A_41 : memref<1x80x128xi32, #tpu.memory_space<hbm>> -> memref<80x128xi32, #tpu.memory_space<hbm>>
    tpu.wait_dma2 semaphore(%arg15 : memref<!tpu.dma_semaphore, #tpu.memory_space<semaphore_mem>>) src(%dma_wait3A_42 : memref<80x128xi32, #tpu.memory_space<hbm>>) dst(%arg10 : memref<80x128xi32, #tpu.memory_space<vmem>>)
    tpu.wait_dma2 semaphore(%arg15 : memref<!tpu.dma_semaphore, #tpu.memory_space<semaphore_mem>>) src(%arg3 : memref<10016xf32, #tpu.memory_space<hbm>>) dst(%arg11 : memref<10016xf32, #tpu.memory_space<vmem>>)
    tpu.wait_dma2 semaphore(%arg15 : memref<!tpu.dma_semaphore, #tpu.memory_space<semaphore_mem>>) src(%arg4 : memref<10016xf32, #tpu.memory_space<hbm>>) dst(%arg12 : memref<10016xf32, #tpu.memory_space<vmem>>)
    %barrier3A = arith.constant 0 : index
    tpu.barrier barrier_id(%barrier3A)
    %scan3A = arith.constant 0 : i32
    %scan3A_43 = arith.constant 0 : i32
    %scan3A_44 = arith.constant 80 : i32
    %scan3A_45 = arith.addi %scan3A_43, %scan3A_44 : i32
    %scan3A_46 = arith.constant 1 : i32
    scf.for %scan3A_56 = %scan3A_43 to %scan3A_45 step %scan3A_46  : i32 {
      %get3A = arith.index_cast %scan3A_56 : i32 to index
      %get3A_57 = arith.constant 0 : index
      %get3A_58 = tpu.vector_load %arg9[%get3A, %get3A_57] {strides = array<i32>} : memref<80x128xi32, #tpu.memory_space<vmem>>, vector<16xi32>,
      %get3A_59 = arith.index_cast %scan3A_56 : i32 to index
      %get3A_60 = arith.constant 0 : index
      %get3A_61 = tpu.vector_load %arg10[%get3A_59, %get3A_60] {strides = array<i32>} : memref<80x128xi32, #tpu.memory_space<vmem>>, vector<16xi32>,
      %convert_element_type3A_62 = arith.sitofp %get3A_58 : vector<16xi32> to vector<16xf32>
      %convert_element_type3A_63 = arith.sitofp %get3A_61 : vector<16xi32> to vector<16xf32>
      %add3A_64 = arith.addf %convert_element_type3A_62, %convert_element_type3A_63 : vector<16xf32>
      %mul3A_65 = arith.constant 2.000000e-01 : f32
      %mul3A_66 = vector.broadcast %mul3A_65 : f32 to vector<16xf32>
      %mul3A_67 = arith.mulf %add3A_64, %mul3A_66 : vector<16xf32>
      %max3A = arith.maximumf %add3A_64, %mul3A_67 : vector<16xf32>
      %exp3A = math.exp %max3A : vector<16xf32>
      %swap3A = arith.index_cast %scan3A_56 : i32 to index
      %swap3A_68 = arith.constant 0 : index
      %swap3A_69 = tpu.vector_load %arg13[%swap3A, %swap3A_68] {strides = array<i32>} : memref<80x128xf32, #tpu.memory_space<vmem>>, vector<16xf32>,
      tpu.vector_store %arg13[%swap3A, %swap3A_68], %exp3A {strides = array<i32>} : memref<80x128xf32, #tpu.memory_space<vmem>>, vector<16xf32>,
      %get3A_70 = arith.index_cast %scan3A_56 : i32 to index
      %get3A_71 = arith.constant 16 : index
      %get3A_72 = tpu.vector_load %arg9[%get3A_70, %get3A_71] {strides = array<i32>} : memref<80x128xi32, #tpu.memory_space<vmem>>, vector<16xi32>,
      %get3A_73 = arith.index_cast %scan3A_56 : i32 to index
      %get3A_74 = arith.constant 16 : index
      %get3A_75 = tpu.vector_load %arg10[%get3A_73, %get3A_74] {strides = array<i32>} : memref<80x128xi32, #tpu.memory_space<vmem>>, vector<16xi32>,
      %convert_element_type3A_76 = arith.sitofp %get3A_72 : vector<16xi32> to vector<16xf32>
      %convert_element_type3A_77 = arith.sitofp %get3A_75 : vector<16xi32> to vector<16xf32>
      %add3A_78 = arith.addf %convert_element_type3A_76, %convert_element_type3A_77 : vector<16xf32>
      %mul3A_79 = arith.constant 2.000000e-01 : f32
      %mul3A_80 = vector.broadcast %mul3A_79 : f32 to vector<16xf32>
      %mul3A_81 = arith.mulf %add3A_78, %mul3A_80 : vector<16xf32>
      %max3A_82 = arith.maximumf %add3A_78, %mul3A_81 : vector<16xf32>
      %exp3A_83 = math.exp %max3A_82 : vector<16xf32>
      %swap3A_84 = arith.index_cast %scan3A_56 : i32 to index
      %swap3A_85 = arith.constant 16 : index
      %swap3A_86 = tpu.vector_load %arg13[%swap3A_84, %swap3A_85] {strides = array<i32>} : memref<80x128xf32, #tpu.memory_space<vmem>>, vector<16xf32>,
      tpu.vector_store %arg13[%swap3A_84, %swap3A_85], %exp3A_83 {strides = array<i32>} : memref<80x128xf32, #tpu.memory_space<vmem>>, vector<16xf32>,
      %get3A_87 = arith.index_cast %scan3A_56 : i32 to index
      %get3A_88 = arith.constant 32 : index
      %get3A_89 = tpu.vector_load %arg9[%get3A_87, %get3A_88] {strides = array<i32>} : memref<80x128xi32, #tpu.memory_space<vmem>>, vector<16xi32>,
      %get3A_90 = arith.index_cast %scan3A_56 : i32 to index
      %get3A_91 = arith.constant 32 : index
      %get3A_92 = tpu.vector_load %arg10[%get3A_90, %get3A_91] {strides = array<i32>} : memref<80x128xi32, #tpu.memory_space<vmem>>, vector<16xi32>,
      %convert_element_type3A_93 = arith.sitofp %get3A_89 : vector<16xi32> to vector<16xf32>
      %convert_element_type3A_94 = arith.sitofp %get3A_92 : vector<16xi32> to vector<16xf32>
      %add3A_95 = arith.addf %convert_element_type3A_93, %convert_element_type3A_94 : vector<16xf32>
      %mul3A_96 = arith.constant 2.000000e-01 : f32
      %mul3A_97 = vector.broadcast %mul3A_96 : f32 to vector<16xf32>
      %mul3A_98 = arith.mulf %add3A_95, %mul3A_97 : vector<16xf32>
      %max3A_99 = arith.maximumf %add3A_95, %mul3A_98 : vector<16xf32>
      %exp3A_100 = math.exp %max3A_99 : vector<16xf32>
      %swap3A_101 = arith.index_cast %scan3A_56 : i32 to index
      %swap3A_102 = arith.constant 32 : index
      %swap3A_103 = tpu.vector_load %arg13[%swap3A_101, %swap3A_102] {strides = array<i32>} : memref<80x128xf32, #tpu.memory_space<vmem>>, vector<16xf32>,
      tpu.vector_store %arg13[%swap3A_101, %swap3A_102], %exp3A_100 {strides = array<i32>} : memref<80x128xf32, #tpu.memory_space<vmem>>, vector<16xf32>,
      %get3A_104 = arith.index_cast %scan3A_56 : i32 to index
      %get3A_105 = arith.constant 48 : index
      %get3A_106 = tpu.vector_load %arg9[%get3A_104, %get3A_105] {strides = array<i32>} : memref<80x128xi32, #tpu.memory_space<vmem>>, vector<16xi32>,
      %get3A_107 = arith.index_cast %scan3A_56 : i32 to index
      %get3A_108 = arith.constant 48 : index
      %get3A_109 = tpu.vector_load %arg10[%get3A_107, %get3A_108] {strides = array<i32>} : memref<80x128xi32, #tpu.memory_space<vmem>>, vector<16xi32>,
      %convert_element_type3A_110 = arith.sitofp %get3A_106 : vector<16xi32> to vector<16xf32>
      %convert_element_type3A_111 = arith.sitofp %get3A_109 : vector<16xi32> to vector<16xf32>
      %add3A_112 = arith.addf %convert_element_type3A_110, %convert_element_type3A_111 : vector<16xf32>
      %mul3A_113 = arith.constant 2.000000e-01 : f32
      %mul3A_114 = vector.broadcast %mul3A_113 : f32 to vector<16xf32>
      %mul3A_115 = arith.mulf %add3A_112, %mul3A_114 : vector<16xf32>
      %max3A_116 = arith.maximumf %add3A_112, %mul3A_115 : vector<16xf32>
      %exp3A_117 = math.exp %max3A_116 : vector<16xf32>
      %swap3A_118 = arith.index_cast %scan3A_56 : i32 to index
      %swap3A_119 = arith.constant 48 : index
      %swap3A_120 = tpu.vector_load %arg13[%swap3A_118, %swap3A_119] {strides = array<i32>} : memref<80x128xf32, #tpu.memory_space<vmem>>, vector<16xf32>,
      tpu.vector_store %arg13[%swap3A_118, %swap3A_119], %exp3A_117 {strides = array<i32>} : memref<80x128xf32, #tpu.memory_space<vmem>>, vector<16xf32>,
      %get3A_121 = arith.index_cast %scan3A_56 : i32 to index
      %get3A_122 = arith.constant 64 : index
      %get3A_123 = tpu.vector_load %arg9[%get3A_121, %get3A_122] {strides = array<i32>} : memref<80x128xi32, #tpu.memory_space<vmem>>, vector<16xi32>,
      %get3A_124 = arith.index_cast %scan3A_56 : i32 to index
      %get3A_125 = arith.constant 64 : index
      %get3A_126 = tpu.vector_load %arg10[%get3A_124, %get3A_125] {strides = array<i32>} : memref<80x128xi32, #tpu.memory_space<vmem>>, vector<16xi32>,
      %convert_element_type3A_127 = arith.sitofp %get3A_123 : vector<16xi32> to vector<16xf32>
      %convert_element_type3A_128 = arith.sitofp %get3A_126 : vector<16xi32> to vector<16xf32>
      %add3A_129 = arith.addf %convert_element_type3A_127, %convert_element_type3A_128 : vector<16xf32>
      %mul3A_130 = arith.constant 2.000000e-01 : f32
      %mul3A_131 = vector.broadcast %mul3A_130 : f32 to vector<16xf32>
      %mul3A_132 = arith.mulf %add3A_129, %mul3A_131 : vector<16xf32>
      %max3A_133 = arith.maximumf %add3A_129, %mul3A_132 : vector<16xf32>
      %exp3A_134 = math.exp %max3A_133 : vector<16xf32>
      %swap3A_135 = arith.index_cast %scan3A_56 : i32 to index
      %swap3A_136 = arith.constant 64 : index
      %swap3A_137 = tpu.vector_load %arg13[%swap3A_135, %swap3A_136] {strides = array<i32>} : memref<80x128xf32, #tpu.memory_space<vmem>>, vector<16xf32>,
      tpu.vector_store %arg13[%swap3A_135, %swap3A_136], %exp3A_134 {strides = array<i32>} : memref<80x128xf32, #tpu.memory_space<vmem>>, vector<16xf32>,
      %get3A_138 = arith.index_cast %scan3A_56 : i32 to index
      %get3A_139 = arith.constant 80 : index
      %get3A_140 = tpu.vector_load %arg9[%get3A_138, %get3A_139] {strides = array<i32>} : memref<80x128xi32, #tpu.memory_space<vmem>>, vector<16xi32>,
      %get3A_141 = arith.index_cast %scan3A_56 : i32 to index
      %get3A_142 = arith.constant 80 : index
      %get3A_143 = tpu.vector_load %arg10[%get3A_141, %get3A_142] {strides = array<i32>} : memref<80x128xi32, #tpu.memory_space<vmem>>, vector<16xi32>,
      %convert_element_type3A_144 = arith.sitofp %get3A_140 : vector<16xi32> to vector<16xf32>
      %convert_element_type3A_145 = arith.sitofp %get3A_143 : vector<16xi32> to vector<16xf32>
      %add3A_146 = arith.addf %convert_element_type3A_144, %convert_element_type3A_145 : vector<16xf32>
      %mul3A_147 = arith.constant 2.000000e-01 : f32
      %mul3A_148 = vector.broadcast %mul3A_147 : f32 to vector<16xf32>
      %mul3A_149 = arith.mulf %add3A_146, %mul3A_148 : vector<16xf32>
      %max3A_150 = arith.maximumf %add3A_146, %mul3A_149 : vector<16xf32>
      %exp3A_151 = math.exp %max3A_150 : vector<16xf32>
      %swap3A_152 = arith.index_cast %scan3A_56 : i32 to index
      %swap3A_153 = arith.constant 80 : index
      %swap3A_154 = tpu.vector_load %arg13[%swap3A_152, %swap3A_153] {strides = array<i32>} : memref<80x128xf32, #tpu.memory_space<vmem>>, vector<16xf32>,
      tpu.vector_store %arg13[%swap3A_152, %swap3A_153], %exp3A_151 {strides = array<i32>} : memref<80x128xf32, #tpu.memory_space<vmem>>, vector<16xf32>,
      %get3A_155 = arith.index_cast %scan3A_56 : i32 to index
      %get3A_156 = arith.constant 96 : index
      %get3A_157 = tpu.vector_load %arg9[%get3A_155, %get3A_156] {strides = array<i32>} : memref<80x128xi32, #tpu.memory_space<vmem>>, vector<16xi32>,
      %get3A_158 = arith.index_cast %scan3A_56 : i32 to index
      %get3A_159 = arith.constant 96 : index
      %get3A_160 = tpu.vector_load %arg10[%get3A_158, %get3A_159] {strides = array<i32>} : memref<80x128xi32, #tpu.memory_space<vmem>>, vector<16xi32>,
      %convert_element_type3A_161 = arith.sitofp %get3A_157 : vector<16xi32> to vector<16xf32>
      %convert_element_type3A_162 = arith.sitofp %get3A_160 : vector<16xi32> to vector<16xf32>
      %add3A_163 = arith.addf %convert_element_type3A_161, %convert_element_type3A_162 : vector<16xf32>
      %mul3A_164 = arith.constant 2.000000e-01 : f32
      %mul3A_165 = vector.broadcast %mul3A_164 : f32 to vector<16xf32>
      %mul3A_166 = arith.mulf %add3A_163, %mul3A_165 : vector<16xf32>
      %max3A_167 = arith.maximumf %add3A_163, %mul3A_166 : vector<16xf32>
      %exp3A_168 = math.exp %max3A_167 : vector<16xf32>
      %swap3A_169 = arith.index_cast %scan3A_56 : i32 to index
      %swap3A_170 = arith.constant 96 : index
      %swap3A_171 = tpu.vector_load %arg13[%swap3A_169, %swap3A_170] {strides = array<i32>} : memref<80x128xf32, #tpu.memory_space<vmem>>, vector<16xf32>,
      tpu.vector_store %arg13[%swap3A_169, %swap3A_170], %exp3A_168 {strides = array<i32>} : memref<80x128xf32, #tpu.memory_space<vmem>>, vector<16xf32>,
      %get3A_172 = arith.index_cast %scan3A_56 : i32 to index
      %get3A_173 = arith.constant 112 : index
      %get3A_174 = tpu.vector_load %arg9[%get3A_172, %get3A_173] {strides = array<i32>} : memref<80x128xi32, #tpu.memory_space<vmem>>, vector<16xi32>,
      %get3A_175 = arith.index_cast %scan3A_56 : i32 to index
      %get3A_176 = arith.constant 112 : index
      %get3A_177 = tpu.vector_load %arg10[%get3A_175, %get3A_176] {strides = array<i32>} : memref<80x128xi32, #tpu.memory_space<vmem>>, vector<16xi32>,
      %convert_element_type3A_178 = arith.sitofp %get3A_174 : vector<16xi32> to vector<16xf32>
      %convert_element_type3A_179 = arith.sitofp %get3A_177 : vector<16xi32> to vector<16xf32>
      %add3A_180 = arith.addf %convert_element_type3A_178, %convert_element_type3A_179 : vector<16xf32>
      %mul3A_181 = arith.constant 2.000000e-01 : f32
      %mul3A_182 = vector.broadcast %mul3A_181 : f32 to vector<16xf32>
      %mul3A_183 = arith.mulf %add3A_180, %mul3A_182 : vector<16xf32>
      %max3A_184 = arith.maximumf %add3A_180, %mul3A_183 : vector<16xf32>
      %exp3A_185 = math.exp %max3A_184 : vector<16xf32>
      %swap3A_186 = arith.index_cast %scan3A_56 : i32 to index
      %swap3A_187 = arith.constant 112 : index
      %swap3A_188 = tpu.vector_load %arg13[%swap3A_186, %swap3A_187] {strides = array<i32>} : memref<80x128xf32, #tpu.memory_space<vmem>>, vector<16xf32>,
      tpu.vector_store %arg13[%swap3A_186, %swap3A_187], %exp3A_185 {strides = array<i32>} : memref<80x128xf32, #tpu.memory_space<vmem>>, vector<16xf32>,
    }
    %scan3A_47 = arith.constant 80 : i32
    %mul3A_48 = arith.constant 80 : i32
    %mul3A_49 = arith.muli %add3A, %mul3A_48 : i32
    "tpu.region"() ({
      %run_scoped3A = tpu.sem_alloc : memref<!tpu.dma_semaphore, #tpu.memory_space<semaphore_mem>>
      %dma_start3A_56 = arith.constant 0 : i32
      %dma_start3A_57 = tpu.memref_slice %arg8[%mul3A_49, %dma_start3A_56] : memref<2560x128xf32, #tpu.memory_space<hbm>> -> memref<80x128xf32, #tpu.memory_space<hbm>>
      %dma_start3A_58 = arith.constant 0 : i32
      %dma_start3A_59 = tpu.memref_slice %arg8[%mul3A_49, %dma_start3A_58] : memref<2560x128xf32, #tpu.memory_space<hbm>> -> memref<80x128xf32, #tpu.memory_space<hbm>>
      tpu.enqueue_dma source(%arg13 : memref<80x128xf32, #tpu.memory_space<vmem>>) target(%dma_start3A_59 : memref<80x128xf32, #tpu.memory_space<hbm>>) target_semaphore(%run_scoped3A : memref<!tpu.dma_semaphore, #tpu.memory_space<semaphore_mem>>)
      %dma_wait3A_60 = arith.constant 0 : i32
      %dma_wait3A_61 = tpu.memref_slice %arg8[%mul3A_49, %dma_wait3A_60] : memref<2560x128xf32, #tpu.memory_space<hbm>> -> memref<80x128xf32, #tpu.memory_space<hbm>>
      %dma_wait3A_62 = arith.constant 0 : i32
      %dma_wait3A_63 = tpu.memref_slice %arg8[%mul3A_49, %dma_wait3A_62] : memref<2560x128xf32, #tpu.memory_space<hbm>> -> memref<80x128xf32, #tpu.memory_space<hbm>>
      tpu.wait_dma2 semaphore(%run_scoped3A : memref<!tpu.dma_semaphore, #tpu.memory_space<semaphore_mem>>) src(%arg13 : memref<80x128xf32, #tpu.memory_space<vmem>>) dst(%dma_wait3A_63 : memref<80x128xf32, #tpu.memory_space<hbm>>)
      tpu.yield
    }) : () -> ()
    %barrier3A_50 = arith.constant 0 : index
    tpu.barrier barrier_id(%barrier3A_50)
    %eq3A_51 = arith.constant 0 : i32
    %eq3A_52 = arith.cmpi eq, %arg1, %eq3A_51 : i32
    %convert_element_type3A_53 = arith.extui %eq3A_52 : i1 to i32
    %cond3A_54 = arith.constant 0 : i32
    %cond3A_55 = arith.cmpi ne, %convert_element_type3A_53, %cond3A_54 : i32
    scf.if %cond3A_55 {
      %run_scoped3A = arith.constant 0 : i32
      "tpu.region"() ({
        %run_scoped3A_56 = tpu.sem_alloc : memref<!tpu.dma_semaphore, #tpu.memory_space<semaphore_mem>>
        %dma_start3A_57 = arith.constant 0 : i32
        %dma_start3A_58 = tpu.memref_slice %arg7[%arg0, %run_scoped3A, %dma_start3A_57] : memref<2x1x10016xf32, #tpu.memory_space<hbm>> -> memref<1x1x10016xf32, #tpu.memory_space<hbm>>
        %dma_start3A_59 = tpu.memref_squeeze %dma_start3A_58 : memref<1x1x10016xf32, #tpu.memory_space<hbm>> -> memref<10016xf32, #tpu.memory_space<hbm>>
        tpu.enqueue_dma source(%arg14 : memref<10016xf32, #tpu.memory_space<vmem_shared>>) target(%dma_start3A_59 : memref<10016xf32, #tpu.memory_space<hbm>>) target_semaphore(%run_scoped3A_56 : memref<!tpu.dma_semaphore, #tpu.memory_space<semaphore_mem>>)
        %dma_wait3A_60 = arith.constant 0 : i32
        %dma_wait3A_61 = tpu.memref_slice %arg7[%arg0, %run_scoped3A, %dma_wait3A_60] : memref<2x1x10016xf32, #tpu.memory_space<hbm>> -> memref<1x1x10016xf32, #tpu.memory_space<hbm>>
        %dma_wait3A_62 = tpu.memref_squeeze %dma_wait3A_61 : memref<1x1x10016xf32, #tpu.memory_space<hbm>> -> memref<10016xf32, #tpu.memory_space<hbm>>
        tpu.wait_dma2 semaphore(%run_scoped3A_56 : memref<!tpu.dma_semaphore, #tpu.memory_space<semaphore_mem>>) src(%arg14 : memref<10016xf32, #tpu.memory_space<vmem_shared>>) dst(%dma_wait3A_62 : memref<10016xf32, #tpu.memory_space<hbm>>)
        tpu.yield
      }) : () -> ()
    } else {
    }
    return
  }
}

#map = affine_map<(d0, d1) -> (0, 0, 0)>
#map1 = affine_map<(d0, d1) -> (0, 0)>
#map2 = affine_map<(d0, d1) -> (0)>
module attributes {stable_mosaic.version = 14 : i64} {
  func.func @_sc2_body(%arg0: i32, %arg1: i32, %arg2: memref<2x2560x128xi32, #tpu.memory_space<hbm>>, %arg3: memref<2560x128xf32, #tpu.memory_space<hbm>>, %arg4: memref<2x1x10016xf32, #tpu.memory_space<hbm>>, %arg5: memref<10016xf32, #tpu.memory_space<hbm>>, %arg6: memref<2x1x10016xf32, #tpu.memory_space<hbm>>, %arg7: memref<80x128xi32, #tpu.memory_space<vmem>>, %arg8: memref<80x128xi32, #tpu.memory_space<vmem>>, %arg9: memref<80x128xf32, #tpu.memory_space<vmem>>, %arg10: memref<10016xf32, #tpu.memory_space<vmem>>, %arg11: memref<2x1x10016xf32, #tpu.memory_space<vmem>>, %arg12: memref<10016xf32, #tpu.memory_space<vmem_shared>>, %arg13: memref<!tpu.dma_semaphore, #tpu.memory_space<semaphore_mem>>) attributes {dimension_semantics = [#tpu.dimension_semantics<core_parallel>, #tpu.dimension_semantics<subcore_parallel>], iteration_bounds = array<i64: 2, 16>, scalar_prefetch = 0 : i64, scratch_operands = 7 : i64, tpu.core_type = #tpu.core_type<sc_vector_subcore>, window_params = [{transform_indices = #map}, {transform_indices = #map1}, {transform_indices = #map}, {transform_indices = #map2}, {transform_indices = #map}]} {
    %mul3A = arith.constant 16 : i32
    %mul3A_0 = arith.muli %arg0, %mul3A : i32
    %add3A = arith.addi %mul3A_0, %arg1 : i32
    %mul3A_1 = arith.constant 80 : i32
    %mul3A_2 = arith.muli %add3A, %mul3A_1 : i32
    %dma_start3A = arith.constant 0 : i32
    %dma_start3A_3 = arith.constant 0 : i32
    %dma_start3A_4 = tpu.memref_slice %arg2[%dma_start3A, %mul3A_2, %dma_start3A_3] : memref<2x2560x128xi32, #tpu.memory_space<hbm>> -> memref<1x80x128xi32, #tpu.memory_space<hbm>>
    %dma_start3A_5 = tpu.memref_squeeze %dma_start3A_4 : memref<1x80x128xi32, #tpu.memory_space<hbm>> -> memref<80x128xi32, #tpu.memory_space<hbm>>
    %dma_start3A_6 = arith.constant 0 : i32
    %dma_start3A_7 = tpu.memref_slice %arg2[%dma_start3A, %mul3A_2, %dma_start3A_6] : memref<2x2560x128xi32, #tpu.memory_space<hbm>> -> memref<1x80x128xi32, #tpu.memory_space<hbm>>
    %dma_start3A_8 = tpu.memref_squeeze %dma_start3A_7 : memref<1x80x128xi32, #tpu.memory_space<hbm>> -> memref<80x128xi32, #tpu.memory_space<hbm>>
    tpu.enqueue_dma source(%dma_start3A_8 : memref<80x128xi32, #tpu.memory_space<hbm>>) target(%arg7 : memref<80x128xi32, #tpu.memory_space<vmem>>) target_semaphore(%arg13 : memref<!tpu.dma_semaphore, #tpu.memory_space<semaphore_mem>>)
    %mul3A_9 = arith.constant 80 : i32
    %mul3A_10 = arith.muli %add3A, %mul3A_9 : i32
    %dma_start3A_11 = arith.constant 1 : i32
    %dma_start3A_12 = arith.constant 0 : i32
    %dma_start3A_13 = tpu.memref_slice %arg2[%dma_start3A_11, %mul3A_10, %dma_start3A_12] : memref<2x2560x128xi32, #tpu.memory_space<hbm>> -> memref<1x80x128xi32, #tpu.memory_space<hbm>>
    %dma_start3A_14 = tpu.memref_squeeze %dma_start3A_13 : memref<1x80x128xi32, #tpu.memory_space<hbm>> -> memref<80x128xi32, #tpu.memory_space<hbm>>
    %dma_start3A_15 = arith.constant 0 : i32
    %dma_start3A_16 = tpu.memref_slice %arg2[%dma_start3A_11, %mul3A_10, %dma_start3A_15] : memref<2x2560x128xi32, #tpu.memory_space<hbm>> -> memref<1x80x128xi32, #tpu.memory_space<hbm>>
    %dma_start3A_17 = tpu.memref_squeeze %dma_start3A_16 : memref<1x80x128xi32, #tpu.memory_space<hbm>> -> memref<80x128xi32, #tpu.memory_space<hbm>>
    tpu.enqueue_dma source(%dma_start3A_17 : memref<80x128xi32, #tpu.memory_space<hbm>>) target(%arg8 : memref<80x128xi32, #tpu.memory_space<vmem>>) target_semaphore(%arg13 : memref<!tpu.dma_semaphore, #tpu.memory_space<semaphore_mem>>)
    %mul3A_18 = arith.constant 80 : i32
    %mul3A_19 = arith.muli %add3A, %mul3A_18 : i32
    %dma_start3A_20 = arith.constant 0 : i32
    %dma_start3A_21 = tpu.memref_slice %arg3[%mul3A_19, %dma_start3A_20] : memref<2560x128xf32, #tpu.memory_space<hbm>> -> memref<80x128xf32, #tpu.memory_space<hbm>>
    %dma_start3A_22 = arith.constant 0 : i32
    %dma_start3A_23 = tpu.memref_slice %arg3[%mul3A_19, %dma_start3A_22] : memref<2560x128xf32, #tpu.memory_space<hbm>> -> memref<80x128xf32, #tpu.memory_space<hbm>>
    tpu.enqueue_dma source(%dma_start3A_23 : memref<80x128xf32, #tpu.memory_space<hbm>>) target(%arg9 : memref<80x128xf32, #tpu.memory_space<vmem>>) target_semaphore(%arg13 : memref<!tpu.dma_semaphore, #tpu.memory_space<semaphore_mem>>)
    tpu.enqueue_dma source(%arg4 : memref<2x1x10016xf32, #tpu.memory_space<hbm>>) target(%arg11 : memref<2x1x10016xf32, #tpu.memory_space<vmem>>) target_semaphore(%arg13 : memref<!tpu.dma_semaphore, #tpu.memory_space<semaphore_mem>>)
    %eq3A = arith.constant 0 : i32
    %eq3A_24 = arith.cmpi eq, %arg1, %eq3A : i32
    %convert_element_type3A = arith.extui %eq3A_24 : i1 to i32
    %cond3A = arith.constant 0 : i32
    %cond3A_25 = arith.cmpi ne, %convert_element_type3A, %cond3A : i32
    scf.if %cond3A_25 {
      "tpu.region"() ({
        %run_scoped3A = tpu.sem_alloc : memref<!tpu.dma_semaphore, #tpu.memory_space<semaphore_mem>>
        tpu.enqueue_dma source(%arg5 : memref<10016xf32, #tpu.memory_space<hbm>>) target(%arg12 : memref<10016xf32, #tpu.memory_space<vmem_shared>>) target_semaphore(%run_scoped3A : memref<!tpu.dma_semaphore, #tpu.memory_space<semaphore_mem>>)
        tpu.wait_dma2 semaphore(%run_scoped3A : memref<!tpu.dma_semaphore, #tpu.memory_space<semaphore_mem>>) src(%arg5 : memref<10016xf32, #tpu.memory_space<hbm>>) dst(%arg12 : memref<10016xf32, #tpu.memory_space<vmem_shared>>)
        tpu.yield
      }) : () -> ()
    } else {
    }
    %dma_wait3A = arith.constant 0 : i32
    %dma_wait3A_26 = arith.constant 0 : i32
    %dma_wait3A_27 = tpu.memref_slice %arg2[%dma_wait3A, %mul3A_2, %dma_wait3A_26] : memref<2x2560x128xi32, #tpu.memory_space<hbm>> -> memref<1x80x128xi32, #tpu.memory_space<hbm>>
    %dma_wait3A_28 = tpu.memref_squeeze %dma_wait3A_27 : memref<1x80x128xi32, #tpu.memory_space<hbm>> -> memref<80x128xi32, #tpu.memory_space<hbm>>
    %dma_wait3A_29 = arith.constant 0 : i32
    %dma_wait3A_30 = tpu.memref_slice %arg2[%dma_wait3A, %mul3A_2, %dma_wait3A_29] : memref<2x2560x128xi32, #tpu.memory_space<hbm>> -> memref<1x80x128xi32, #tpu.memory_space<hbm>>
    %dma_wait3A_31 = tpu.memref_squeeze %dma_wait3A_30 : memref<1x80x128xi32, #tpu.memory_space<hbm>> -> memref<80x128xi32, #tpu.memory_space<hbm>>
    tpu.wait_dma2 semaphore(%arg13 : memref<!tpu.dma_semaphore, #tpu.memory_space<semaphore_mem>>) src(%dma_wait3A_31 : memref<80x128xi32, #tpu.memory_space<hbm>>) dst(%arg7 : memref<80x128xi32, #tpu.memory_space<vmem>>)
    %dma_wait3A_32 = arith.constant 1 : i32
    %dma_wait3A_33 = arith.constant 0 : i32
    %dma_wait3A_34 = tpu.memref_slice %arg2[%dma_wait3A_32, %mul3A_10, %dma_wait3A_33] : memref<2x2560x128xi32, #tpu.memory_space<hbm>> -> memref<1x80x128xi32, #tpu.memory_space<hbm>>
    %dma_wait3A_35 = tpu.memref_squeeze %dma_wait3A_34 : memref<1x80x128xi32, #tpu.memory_space<hbm>> -> memref<80x128xi32, #tpu.memory_space<hbm>>
    %dma_wait3A_36 = arith.constant 0 : i32
    %dma_wait3A_37 = tpu.memref_slice %arg2[%dma_wait3A_32, %mul3A_10, %dma_wait3A_36] : memref<2x2560x128xi32, #tpu.memory_space<hbm>> -> memref<1x80x128xi32, #tpu.memory_space<hbm>>
    %dma_wait3A_38 = tpu.memref_squeeze %dma_wait3A_37 : memref<1x80x128xi32, #tpu.memory_space<hbm>> -> memref<80x128xi32, #tpu.memory_space<hbm>>
    tpu.wait_dma2 semaphore(%arg13 : memref<!tpu.dma_semaphore, #tpu.memory_space<semaphore_mem>>) src(%dma_wait3A_38 : memref<80x128xi32, #tpu.memory_space<hbm>>) dst(%arg8 : memref<80x128xi32, #tpu.memory_space<vmem>>)
    %dma_wait3A_39 = arith.constant 0 : i32
    %dma_wait3A_40 = tpu.memref_slice %arg3[%mul3A_19, %dma_wait3A_39] : memref<2560x128xf32, #tpu.memory_space<hbm>> -> memref<80x128xf32, #tpu.memory_space<hbm>>
    %dma_wait3A_41 = arith.constant 0 : i32
    %dma_wait3A_42 = tpu.memref_slice %arg3[%mul3A_19, %dma_wait3A_41] : memref<2560x128xf32, #tpu.memory_space<hbm>> -> memref<80x128xf32, #tpu.memory_space<hbm>>
    tpu.wait_dma2 semaphore(%arg13 : memref<!tpu.dma_semaphore, #tpu.memory_space<semaphore_mem>>) src(%dma_wait3A_42 : memref<80x128xf32, #tpu.memory_space<hbm>>) dst(%arg9 : memref<80x128xf32, #tpu.memory_space<vmem>>)
    tpu.wait_dma2 semaphore(%arg13 : memref<!tpu.dma_semaphore, #tpu.memory_space<semaphore_mem>>) src(%arg4 : memref<2x1x10016xf32, #tpu.memory_space<hbm>>) dst(%arg11 : memref<2x1x10016xf32, #tpu.memory_space<vmem>>)
    %scan3A = arith.constant 0 : i32
    %scan3A_43 = arith.constant 0 : i32
    %scan3A_44 = arith.constant 626 : i32
    %scan3A_45 = arith.addi %scan3A_43, %scan3A_44 : i32
    %scan3A_46 = arith.constant 1 : i32
    scf.for %scan3A_60 = %scan3A_43 to %scan3A_45 step %scan3A_46  : i32 {
      %mul3A_61 = arith.constant 16 : i32
      %mul3A_62 = arith.muli %scan3A_60, %mul3A_61 : i32
      %get3A = arith.constant 0 : i32
      %get3A_63 = arith.constant 0 : i32
      %get3A_64 = arith.index_cast %get3A : i32 to index
      %get3A_65 = arith.index_cast %get3A_63 : i32 to index
      %get3A_66 = arith.index_cast %mul3A_62 : i32 to index
      %get3A_67 = tpu.vector_load %arg11[%get3A_64, %get3A_65, %get3A_66] {strides = array<i32>} : memref<2x1x10016xf32, #tpu.memory_space<vmem>>, vector<16xf32>,
      %get3A_68 = arith.constant 1 : i32
      %get3A_69 = arith.constant 0 : i32
      %get3A_70 = arith.index_cast %get3A_68 : i32 to index
      %get3A_71 = arith.index_cast %get3A_69 : i32 to index
      %get3A_72 = arith.index_cast %mul3A_62 : i32 to index
      %get3A_73 = tpu.vector_load %arg11[%get3A_70, %get3A_71, %get3A_72] {strides = array<i32>} : memref<2x1x10016xf32, #tpu.memory_space<vmem>>, vector<16xf32>,
      %add3A_74 = arith.addf %get3A_67, %get3A_73 : vector<16xf32>
      %swap3A = arith.index_cast %mul3A_62 : i32 to index
      %swap3A_75 = tpu.vector_load %arg10[%swap3A] {strides = array<i32>} : memref<10016xf32, #tpu.memory_space<vmem>>, vector<16xf32>,
      tpu.vector_store %arg10[%swap3A], %add3A_74 {strides = array<i32>} : memref<10016xf32, #tpu.memory_space<vmem>>, vector<16xf32>,
    }
    %scan3A_47 = arith.constant 626 : i32
    %barrier3A = arith.constant 0 : index
    tpu.barrier barrier_id(%barrier3A)
    %scan3A_48 = arith.constant 0 : i32
    %scan3A_49 = arith.constant 0 : i32
    %scan3A_50 = arith.constant 80 : i32
    %scan3A_51 = arith.addi %scan3A_49, %scan3A_50 : i32
    %scan3A_52 = arith.constant 1 : i32
    scf.for %scan3A_60 = %scan3A_49 to %scan3A_51 step %scan3A_52  : i32 {
      %get3A = arith.index_cast %scan3A_60 : i32 to index
      %get3A_61 = arith.constant 0 : index
      %get3A_62 = tpu.vector_load %arg8[%get3A, %get3A_61] {strides = array<i32>} : memref<80x128xi32, #tpu.memory_space<vmem>>, vector<16xi32>,
      %convert_element_type3A_63 = arith.sitofp %get3A_62 : vector<16xi32> to vector<16xf32>
      %add3A_64 = arith.constant 1.000000e+00 : f32
      %add3A_65 = vector.broadcast %add3A_64 : f32 to vector<16xf32>
      %add3A_66 = arith.addf %convert_element_type3A_63, %add3A_65 : vector<16xf32>
      %get3A_67 = arith.index_cast %scan3A_60 : i32 to index
      %get3A_68 = arith.constant 0 : index
      %get3A_69 = tpu.vector_load %arg9[%get3A_67, %get3A_68] {strides = array<i32>} : memref<80x128xf32, #tpu.memory_space<vmem>>, vector<16xf32>,
      %div3A = arith.divf %get3A_69, %add3A_66 : vector<16xf32>
      %swap3A = arith.index_cast %scan3A_60 : i32 to index
      %swap3A_70 = arith.constant 0 : index
      %swap3A_71 = tpu.vector_load %arg9[%swap3A, %swap3A_70] {strides = array<i32>} : memref<80x128xf32, #tpu.memory_space<vmem>>, vector<16xf32>,
      tpu.vector_store %arg9[%swap3A, %swap3A_70], %div3A {strides = array<i32>} : memref<80x128xf32, #tpu.memory_space<vmem>>, vector<16xf32>,
      %get3A_72 = arith.index_cast %scan3A_60 : i32 to index
      %get3A_73 = arith.constant 16 : index
      %get3A_74 = tpu.vector_load %arg8[%get3A_72, %get3A_73] {strides = array<i32>} : memref<80x128xi32, #tpu.memory_space<vmem>>, vector<16xi32>,
      %convert_element_type3A_75 = arith.sitofp %get3A_74 : vector<16xi32> to vector<16xf32>
      %add3A_76 = arith.constant 1.000000e+00 : f32
      %add3A_77 = vector.broadcast %add3A_76 : f32 to vector<16xf32>
      %add3A_78 = arith.addf %convert_element_type3A_75, %add3A_77 : vector<16xf32>
      %get3A_79 = arith.index_cast %scan3A_60 : i32 to index
      %get3A_80 = arith.constant 16 : index
      %get3A_81 = tpu.vector_load %arg9[%get3A_79, %get3A_80] {strides = array<i32>} : memref<80x128xf32, #tpu.memory_space<vmem>>, vector<16xf32>,
      %div3A_82 = arith.divf %get3A_81, %add3A_78 : vector<16xf32>
      %swap3A_83 = arith.index_cast %scan3A_60 : i32 to index
      %swap3A_84 = arith.constant 16 : index
      %swap3A_85 = tpu.vector_load %arg9[%swap3A_83, %swap3A_84] {strides = array<i32>} : memref<80x128xf32, #tpu.memory_space<vmem>>, vector<16xf32>,
      tpu.vector_store %arg9[%swap3A_83, %swap3A_84], %div3A_82 {strides = array<i32>} : memref<80x128xf32, #tpu.memory_space<vmem>>, vector<16xf32>,
      %get3A_86 = arith.index_cast %scan3A_60 : i32 to index
      %get3A_87 = arith.constant 32 : index
      %get3A_88 = tpu.vector_load %arg8[%get3A_86, %get3A_87] {strides = array<i32>} : memref<80x128xi32, #tpu.memory_space<vmem>>, vector<16xi32>,
      %convert_element_type3A_89 = arith.sitofp %get3A_88 : vector<16xi32> to vector<16xf32>
      %add3A_90 = arith.constant 1.000000e+00 : f32
      %add3A_91 = vector.broadcast %add3A_90 : f32 to vector<16xf32>
      %add3A_92 = arith.addf %convert_element_type3A_89, %add3A_91 : vector<16xf32>
      %get3A_93 = arith.index_cast %scan3A_60 : i32 to index
      %get3A_94 = arith.constant 32 : index
      %get3A_95 = tpu.vector_load %arg9[%get3A_93, %get3A_94] {strides = array<i32>} : memref<80x128xf32, #tpu.memory_space<vmem>>, vector<16xf32>,
      %div3A_96 = arith.divf %get3A_95, %add3A_92 : vector<16xf32>
      %swap3A_97 = arith.index_cast %scan3A_60 : i32 to index
      %swap3A_98 = arith.constant 32 : index
      %swap3A_99 = tpu.vector_load %arg9[%swap3A_97, %swap3A_98] {strides = array<i32>} : memref<80x128xf32, #tpu.memory_space<vmem>>, vector<16xf32>,
      tpu.vector_store %arg9[%swap3A_97, %swap3A_98], %div3A_96 {strides = array<i32>} : memref<80x128xf32, #tpu.memory_space<vmem>>, vector<16xf32>,
      %get3A_100 = arith.index_cast %scan3A_60 : i32 to index
      %get3A_101 = arith.constant 48 : index
      %get3A_102 = tpu.vector_load %arg8[%get3A_100, %get3A_101] {strides = array<i32>} : memref<80x128xi32, #tpu.memory_space<vmem>>, vector<16xi32>,
      %convert_element_type3A_103 = arith.sitofp %get3A_102 : vector<16xi32> to vector<16xf32>
      %add3A_104 = arith.constant 1.000000e+00 : f32
      %add3A_105 = vector.broadcast %add3A_104 : f32 to vector<16xf32>
      %add3A_106 = arith.addf %convert_element_type3A_103, %add3A_105 : vector<16xf32>
      %get3A_107 = arith.index_cast %scan3A_60 : i32 to index
      %get3A_108 = arith.constant 48 : index
      %get3A_109 = tpu.vector_load %arg9[%get3A_107, %get3A_108] {strides = array<i32>} : memref<80x128xf32, #tpu.memory_space<vmem>>, vector<16xf32>,
      %div3A_110 = arith.divf %get3A_109, %add3A_106 : vector<16xf32>
      %swap3A_111 = arith.index_cast %scan3A_60 : i32 to index
      %swap3A_112 = arith.constant 48 : index
      %swap3A_113 = tpu.vector_load %arg9[%swap3A_111, %swap3A_112] {strides = array<i32>} : memref<80x128xf32, #tpu.memory_space<vmem>>, vector<16xf32>,
      tpu.vector_store %arg9[%swap3A_111, %swap3A_112], %div3A_110 {strides = array<i32>} : memref<80x128xf32, #tpu.memory_space<vmem>>, vector<16xf32>,
      %get3A_114 = arith.index_cast %scan3A_60 : i32 to index
      %get3A_115 = arith.constant 64 : index
      %get3A_116 = tpu.vector_load %arg8[%get3A_114, %get3A_115] {strides = array<i32>} : memref<80x128xi32, #tpu.memory_space<vmem>>, vector<16xi32>,
      %convert_element_type3A_117 = arith.sitofp %get3A_116 : vector<16xi32> to vector<16xf32>
      %add3A_118 = arith.constant 1.000000e+00 : f32
      %add3A_119 = vector.broadcast %add3A_118 : f32 to vector<16xf32>
      %add3A_120 = arith.addf %convert_element_type3A_117, %add3A_119 : vector<16xf32>
      %get3A_121 = arith.index_cast %scan3A_60 : i32 to index
      %get3A_122 = arith.constant 64 : index
      %get3A_123 = tpu.vector_load %arg9[%get3A_121, %get3A_122] {strides = array<i32>} : memref<80x128xf32, #tpu.memory_space<vmem>>, vector<16xf32>,
      %div3A_124 = arith.divf %get3A_123, %add3A_120 : vector<16xf32>
      %swap3A_125 = arith.index_cast %scan3A_60 : i32 to index
      %swap3A_126 = arith.constant 64 : index
      %swap3A_127 = tpu.vector_load %arg9[%swap3A_125, %swap3A_126] {strides = array<i32>} : memref<80x128xf32, #tpu.memory_space<vmem>>, vector<16xf32>,
      tpu.vector_store %arg9[%swap3A_125, %swap3A_126], %div3A_124 {strides = array<i32>} : memref<80x128xf32, #tpu.memory_space<vmem>>, vector<16xf32>,
      %get3A_128 = arith.index_cast %scan3A_60 : i32 to index
      %get3A_129 = arith.constant 80 : index
      %get3A_130 = tpu.vector_load %arg8[%get3A_128, %get3A_129] {strides = array<i32>} : memref<80x128xi32, #tpu.memory_space<vmem>>, vector<16xi32>,
      %convert_element_type3A_131 = arith.sitofp %get3A_130 : vector<16xi32> to vector<16xf32>
      %add3A_132 = arith.constant 1.000000e+00 : f32
      %add3A_133 = vector.broadcast %add3A_132 : f32 to vector<16xf32>
      %add3A_134 = arith.addf %convert_element_type3A_131, %add3A_133 : vector<16xf32>
      %get3A_135 = arith.index_cast %scan3A_60 : i32 to index
      %get3A_136 = arith.constant 80 : index
      %get3A_137 = tpu.vector_load %arg9[%get3A_135, %get3A_136] {strides = array<i32>} : memref<80x128xf32, #tpu.memory_space<vmem>>, vector<16xf32>,
      %div3A_138 = arith.divf %get3A_137, %add3A_134 : vector<16xf32>
      %swap3A_139 = arith.index_cast %scan3A_60 : i32 to index
      %swap3A_140 = arith.constant 80 : index
      %swap3A_141 = tpu.vector_load %arg9[%swap3A_139, %swap3A_140] {strides = array<i32>} : memref<80x128xf32, #tpu.memory_space<vmem>>, vector<16xf32>,
      tpu.vector_store %arg9[%swap3A_139, %swap3A_140], %div3A_138 {strides = array<i32>} : memref<80x128xf32, #tpu.memory_space<vmem>>, vector<16xf32>,
      %get3A_142 = arith.index_cast %scan3A_60 : i32 to index
      %get3A_143 = arith.constant 96 : index
      %get3A_144 = tpu.vector_load %arg8[%get3A_142, %get3A_143] {strides = array<i32>} : memref<80x128xi32, #tpu.memory_space<vmem>>, vector<16xi32>,
      %convert_element_type3A_145 = arith.sitofp %get3A_144 : vector<16xi32> to vector<16xf32>
      %add3A_146 = arith.constant 1.000000e+00 : f32
      %add3A_147 = vector.broadcast %add3A_146 : f32 to vector<16xf32>
      %add3A_148 = arith.addf %convert_element_type3A_145, %add3A_147 : vector<16xf32>
      %get3A_149 = arith.index_cast %scan3A_60 : i32 to index
      %get3A_150 = arith.constant 96 : index
      %get3A_151 = tpu.vector_load %arg9[%get3A_149, %get3A_150] {strides = array<i32>} : memref<80x128xf32, #tpu.memory_space<vmem>>, vector<16xf32>,
      %div3A_152 = arith.divf %get3A_151, %add3A_148 : vector<16xf32>
      %swap3A_153 = arith.index_cast %scan3A_60 : i32 to index
      %swap3A_154 = arith.constant 96 : index
      %swap3A_155 = tpu.vector_load %arg9[%swap3A_153, %swap3A_154] {strides = array<i32>} : memref<80x128xf32, #tpu.memory_space<vmem>>, vector<16xf32>,
      tpu.vector_store %arg9[%swap3A_153, %swap3A_154], %div3A_152 {strides = array<i32>} : memref<80x128xf32, #tpu.memory_space<vmem>>, vector<16xf32>,
      %get3A_156 = arith.index_cast %scan3A_60 : i32 to index
      %get3A_157 = arith.constant 112 : index
      %get3A_158 = tpu.vector_load %arg8[%get3A_156, %get3A_157] {strides = array<i32>} : memref<80x128xi32, #tpu.memory_space<vmem>>, vector<16xi32>,
      %convert_element_type3A_159 = arith.sitofp %get3A_158 : vector<16xi32> to vector<16xf32>
      %add3A_160 = arith.constant 1.000000e+00 : f32
      %add3A_161 = vector.broadcast %add3A_160 : f32 to vector<16xf32>
      %add3A_162 = arith.addf %convert_element_type3A_159, %add3A_161 : vector<16xf32>
      %get3A_163 = arith.index_cast %scan3A_60 : i32 to index
      %get3A_164 = arith.constant 112 : index
      %get3A_165 = tpu.vector_load %arg9[%get3A_163, %get3A_164] {strides = array<i32>} : memref<80x128xf32, #tpu.memory_space<vmem>>, vector<16xf32>,
      %div3A_166 = arith.divf %get3A_165, %add3A_162 : vector<16xf32>
      %swap3A_167 = arith.index_cast %scan3A_60 : i32 to index
      %swap3A_168 = arith.constant 112 : index
      %swap3A_169 = tpu.vector_load %arg9[%swap3A_167, %swap3A_168] {strides = array<i32>} : memref<80x128xf32, #tpu.memory_space<vmem>>, vector<16xf32>,
      tpu.vector_store %arg9[%swap3A_167, %swap3A_168], %div3A_166 {strides = array<i32>} : memref<80x128xf32, #tpu.memory_space<vmem>>, vector<16xf32>,
    }
    %scan3A_53 = arith.constant 80 : i32
    %barrier3A_54 = arith.constant 0 : index
    tpu.barrier barrier_id(%barrier3A_54)
    %eq3A_55 = arith.constant 0 : i32
    %eq3A_56 = arith.cmpi eq, %arg1, %eq3A_55 : i32
    %convert_element_type3A_57 = arith.extui %eq3A_56 : i1 to i32
    %cond3A_58 = arith.constant 0 : i32
    %cond3A_59 = arith.cmpi ne, %convert_element_type3A_57, %cond3A_58 : i32
    scf.if %cond3A_59 {
      %run_scoped3A = arith.constant 0 : i32
      "tpu.region"() ({
        %run_scoped3A_60 = tpu.sem_alloc : memref<!tpu.dma_semaphore, #tpu.memory_space<semaphore_mem>>
        %dma_start3A_61 = arith.constant 0 : i32
        %dma_start3A_62 = tpu.memref_slice %arg6[%arg0, %run_scoped3A, %dma_start3A_61] : memref<2x1x10016xf32, #tpu.memory_space<hbm>> -> memref<1x1x10016xf32, #tpu.memory_space<hbm>>
        %dma_start3A_63 = tpu.memref_squeeze %dma_start3A_62 : memref<1x1x10016xf32, #tpu.memory_space<hbm>> -> memref<10016xf32, #tpu.memory_space<hbm>>
        tpu.enqueue_dma source(%arg12 : memref<10016xf32, #tpu.memory_space<vmem_shared>>) target(%dma_start3A_63 : memref<10016xf32, #tpu.memory_space<hbm>>) target_semaphore(%run_scoped3A_60 : memref<!tpu.dma_semaphore, #tpu.memory_space<semaphore_mem>>)
        %dma_wait3A_64 = arith.constant 0 : i32
        %dma_wait3A_65 = tpu.memref_slice %arg6[%arg0, %run_scoped3A, %dma_wait3A_64] : memref<2x1x10016xf32, #tpu.memory_space<hbm>> -> memref<1x1x10016xf32, #tpu.memory_space<hbm>>
        %dma_wait3A_66 = tpu.memref_squeeze %dma_wait3A_65 : memref<1x1x10016xf32, #tpu.memory_space<hbm>> -> memref<10016xf32, #tpu.memory_space<hbm>>
        tpu.wait_dma2 semaphore(%run_scoped3A_60 : memref<!tpu.dma_semaphore, #tpu.memory_space<semaphore_mem>>) src(%arg12 : memref<10016xf32, #tpu.memory_space<vmem_shared>>) dst(%dma_wait3A_66 : memref<10016xf32, #tpu.memory_space<hbm>>)
        tpu.yield
      }) : () -> ()
    } else {
    }
    return
  }
}

module attributes {stable_mosaic.version = 14 : i64} {
  func.func @_post_body(%arg0: memref<2x1x10016xf32, #tpu.memory_space<vmem>>, %arg1: memref<2x1x10016xf32, #tpu.memory_space<vmem>>, %arg2: memref<10016xf32, #tpu.memory_space<vmem>>, %arg3: memref<10000x128xf32, #tpu.memory_space<vmem>>, %arg4: memref<128x128xf32, #tpu.memory_space<vmem>>, %arg5: memref<128xf32, #tpu.memory_space<vmem>>, %arg6: memref<1x128xf32, #tpu.memory_space<vmem>>) attributes {dimension_semantics = [], scalar_prefetch = 0 : i64, scratch_operands = 0 : i64, tpu.core_type = #tpu.core_type<tc>} {
    %get3A = arith.constant 0 : index
    %get3A_0 = vector.load %arg2[%get3A] : memref<10016xf32, #tpu.memory_space<vmem>>, vector<10016xf32>
    %reshape3A = vector.shape_cast %get3A_0 : vector<10016xf32> to vector<1x10016xf32>
    %get3A_1 = arith.constant 0 : index
    %get3A_2 = arith.constant 0 : index
    %get3A_3 = arith.constant 0 : index
    %get3A_4 = vector.load %arg1[%get3A_1, %get3A_2, %get3A_3] : memref<2x1x10016xf32, #tpu.memory_space<vmem>>, vector<1x1x10016xf32>
    %get3A_5 = vector.shape_cast %get3A_4 : vector<1x1x10016xf32> to vector<1x10016xf32>
    %get3A_6 = arith.constant 1 : index
    %get3A_7 = arith.constant 0 : index
    %get3A_8 = arith.constant 0 : index
    %get3A_9 = vector.load %arg1[%get3A_6, %get3A_7, %get3A_8] : memref<2x1x10016xf32, #tpu.memory_space<vmem>>, vector<1x1x10016xf32>
    %get3A_10 = vector.shape_cast %get3A_9 : vector<1x1x10016xf32> to vector<1x10016xf32>
    %add3A = arith.addf %get3A_5, %get3A_10 : vector<1x10016xf32>
    %get3A_11 = arith.constant 0 : index
    %get3A_12 = arith.constant 0 : index
    %get3A_13 = arith.constant 0 : index
    %get3A_14 = vector.load %arg0[%get3A_11, %get3A_12, %get3A_13] : memref<2x1x10016xf32, #tpu.memory_space<vmem>>, vector<1x1x10016xf32>
    %get3A_15 = vector.shape_cast %get3A_14 : vector<1x1x10016xf32> to vector<1x10016xf32>
    %get3A_16 = arith.constant 1 : index
    %get3A_17 = arith.constant 0 : index
    %get3A_18 = arith.constant 0 : index
    %get3A_19 = vector.load %arg0[%get3A_16, %get3A_17, %get3A_18] : memref<2x1x10016xf32, #tpu.memory_space<vmem>>, vector<1x1x10016xf32>
    %get3A_20 = vector.shape_cast %get3A_19 : vector<1x1x10016xf32> to vector<1x10016xf32>
    %add3A_21 = arith.addf %get3A_15, %get3A_20 : vector<1x10016xf32>
    %div3A = arith.divf %reshape3A, %add3A : vector<1x10016xf32>
    %add3A_22 = arith.addf %add3A_21, %div3A : vector<1x10016xf32>
    %slice3A = vector.extract_strided_slice %add3A_22 {offsets = [0, 0], sizes = [1, 10000], strides = [1, 1]} : vector<1x10016xf32> to vector<1x10000xf32>
    %get3A_23 = arith.constant 0 : index
    %get3A_24 = arith.constant 0 : index
    %get3A_25 = vector.load %arg3[%get3A_23, %get3A_24] : memref<10000x128xf32, #tpu.memory_space<vmem>>, vector<10000x128xf32>
    %dot_general3A = arith.constant dense<0.000000e+00> : vector<1x128xf32>
    %dot_general3A_26 = tpu.matmul %slice3A, %get3A_25, %dot_general3A {dimension_numbers = #tpu.dot_dimension_numbers<[1], [0], [0], [1], [0, 0, 1, 1], [], []>, transpose_lhs_hint = false} : vector<1x10000xf32>, vector<10000x128xf32>, vector<1x128xf32> -> vector<1x128xf32>
    %get3A_27 = arith.constant 0 : index
    %get3A_28 = arith.constant 0 : index
    %get3A_29 = vector.load %arg4[%get3A_27, %get3A_28] : memref<128x128xf32, #tpu.memory_space<vmem>>, vector<128x128xf32>
    %dot_general3A_30 = arith.constant dense<0.000000e+00> : vector<1x128xf32>
    %dot_general3A_31 = tpu.matmul %dot_general3A_26, %get3A_29, %dot_general3A_30 {dimension_numbers = #tpu.dot_dimension_numbers<[1], [0], [0], [1], [0, 0, 1, 1], [], []>, transpose_lhs_hint = false} : vector<1x128xf32>, vector<128x128xf32>, vector<1x128xf32> -> vector<1x128xf32>
    %mul3A = arith.constant 9.99999974E-5 : f32
    %mul3A_32 = vector.broadcast %mul3A : f32 to vector<1x128xf32>
    %mul3A_33 = arith.mulf %dot_general3A_31, %mul3A_32 : vector<1x128xf32>
    %get3A_34 = arith.constant 0 : index
    %get3A_35 = vector.load %arg5[%get3A_34] : memref<128xf32, #tpu.memory_space<vmem>>, vector<128xf32>
    %reshape3A_36 = vector.shape_cast %get3A_35 : vector<128xf32> to vector<1x128xf32>
    %add3A_37 = arith.addf %mul3A_33, %reshape3A_36 : vector<1x128xf32>
    %swap3A = arith.constant 0 : index
    %swap3A_38 = arith.constant 0 : index
    %swap3A_39 = vector.load %arg6[%swap3A, %swap3A_38] : memref<1x128xf32, #tpu.memory_space<vmem>>, vector<1x128xf32>
    tpu.vector_store %arg6[%swap3A, %swap3A_38], %add3A_37 {strides = array<i32>} : memref<1x128xf32, #tpu.memory_space<vmem>>, vector<1x128xf32>,
    return
  }
}

module attributes {stable_mosaic.version = 14 : i64} {
  func.func @_pre_body(%arg0: memref<10000x128xf32, #tpu.memory_space<vmem>>, %arg1: memref<128x128xf32, #tpu.memory_space<vmem>>, %arg2: memref<128x2xf32, #tpu.memory_space<vmem>>, %arg3: memref<2x320000xi32, #tpu.memory_space<vmem>>, %arg4: memref<10016xf32, #tpu.memory_space<vmem>>, %arg5: memref<10016xf32, #tpu.memory_space<vmem>>, %arg6: memref<10016xf32, #tpu.memory_space<vmem>>, %arg7: memref<2x2560x128xi32, #tpu.memory_space<vmem>>) attributes {dimension_semantics = [], scalar_prefetch = 0 : i64, scratch_operands = 0 : i64, tpu.core_type = #tpu.core_type<tc>} {
    %get3A = arith.constant 0 : index
    %get3A_0 = arith.constant 0 : index
    %get3A_1 = vector.load %arg1[%get3A, %get3A_0] : memref<128x128xf32, #tpu.memory_space<vmem>>, vector<128x128xf32>
    %get3A_2 = arith.constant 0 : index
    %get3A_3 = arith.constant 0 : index
    %get3A_4 = vector.load %arg2[%get3A_2, %get3A_3] : memref<128x2xf32, #tpu.memory_space<vmem>>, vector<128x2xf32>
    %dot_general3A = arith.constant dense<0.000000e+00> : vector<128x2xf32>
    %dot_general3A_5 = tpu.matmul %get3A_1, %get3A_4, %dot_general3A {dimension_numbers = #tpu.dot_dimension_numbers<[1], [0], [0], [1], [0, 0, 1, 1], [], []>, transpose_lhs_hint = false} : vector<128x128xf32>, vector<128x2xf32>, vector<128x2xf32> -> vector<128x2xf32>
    %get3A_6 = arith.constant 0 : index
    %get3A_7 = arith.constant 0 : index
    %get3A_8 = vector.load %arg0[%get3A_6, %get3A_7] : memref<10000x128xf32, #tpu.memory_space<vmem>>, vector<10000x128xf32>
    %dot_general3A_9 = arith.constant dense<0.000000e+00> : vector<2x10000xf32>
    %dot_general3A_10 = tpu.matmul %dot_general3A_5, %get3A_8, %dot_general3A_9 {dimension_numbers = #tpu.dot_dimension_numbers<[0], [1], [1], [0], [0, 1, 1, 0], [], []>, transpose_lhs_hint = false} : vector<128x2xf32>, vector<10000x128xf32>, vector<2x10000xf32> -> vector<2x10000xf32>
    %slice3A = vector.extract_strided_slice %dot_general3A_10 {offsets = [0, 0], sizes = [1, 10000], strides = [1, 1]} : vector<2x10000xf32> to vector<1x10000xf32>
    %squeeze3A = vector.shape_cast %slice3A : vector<1x10000xf32> to vector<10000xf32>
    %slice3A_11 = vector.extract_strided_slice %dot_general3A_10 {offsets = [1, 0], sizes = [1, 10000], strides = [1, 1]} : vector<2x10000xf32> to vector<1x10000xf32>
    %squeeze3A_12 = vector.shape_cast %slice3A_11 : vector<1x10000xf32> to vector<10000xf32>
    %broadcast_in_dim3A = arith.constant 0.000000e+00 : f32
    %broadcast_in_dim3A_13 = vector.broadcast %broadcast_in_dim3A : f32 to vector<16xf32>
    %swap3A = arith.constant 0 : index
    %swap3A_14 = vector.load %arg4[%swap3A] : memref<10016xf32, #tpu.memory_space<vmem>>, vector<10000xf32>
    tpu.vector_store %arg4[%swap3A], %squeeze3A {strides = array<i32>} : memref<10016xf32, #tpu.memory_space<vmem>>, vector<10000xf32>,
    %swap3A_15 = arith.constant 10000 : index
    %swap3A_16 = vector.load %arg4[%swap3A_15] : memref<10016xf32, #tpu.memory_space<vmem>>, vector<16xf32>
    tpu.vector_store %arg4[%swap3A_15], %broadcast_in_dim3A_13 {strides = array<i32>} : memref<10016xf32, #tpu.memory_space<vmem>>, vector<16xf32>,
    %swap3A_17 = arith.constant 0 : index
    %swap3A_18 = vector.load %arg5[%swap3A_17] : memref<10016xf32, #tpu.memory_space<vmem>>, vector<10000xf32>
    tpu.vector_store %arg5[%swap3A_17], %squeeze3A_12 {strides = array<i32>} : memref<10016xf32, #tpu.memory_space<vmem>>, vector<10000xf32>,
    %swap3A_19 = arith.constant 10000 : index
    %swap3A_20 = vector.load %arg5[%swap3A_19] : memref<10016xf32, #tpu.memory_space<vmem>>, vector<16xf32>
    tpu.vector_store %arg5[%swap3A_19], %broadcast_in_dim3A_13 {strides = array<i32>} : memref<10016xf32, #tpu.memory_space<vmem>>, vector<16xf32>,
    %add3A = arith.addf %squeeze3A, %squeeze3A_12 : vector<10000xf32>
    %mul3A = arith.constant 2.000000e-01 : f32
    %mul3A_21 = vector.broadcast %mul3A : f32 to vector<10000xf32>
    %mul3A_22 = arith.mulf %add3A, %mul3A_21 : vector<10000xf32>
    %max3A = arith.maximumf %add3A, %mul3A_22 : vector<10000xf32>
    %exp3A = math.exp %max3A : vector<10000xf32>
    %swap3A_23 = arith.constant 0 : index
    %swap3A_24 = vector.load %arg6[%swap3A_23] : memref<10016xf32, #tpu.memory_space<vmem>>, vector<10000xf32>
    tpu.vector_store %arg6[%swap3A_23], %exp3A {strides = array<i32>} : memref<10016xf32, #tpu.memory_space<vmem>>, vector<10000xf32>,
    %swap3A_25 = arith.constant 10000 : index
    %swap3A_26 = vector.load %arg6[%swap3A_25] : memref<10016xf32, #tpu.memory_space<vmem>>, vector<16xf32>
    tpu.vector_store %arg6[%swap3A_25], %broadcast_in_dim3A_13 {strides = array<i32>} : memref<10016xf32, #tpu.memory_space<vmem>>, vector<16xf32>,
    %get3A_27 = arith.constant 0 : index
    %get3A_28 = arith.constant 0 : index
    %get3A_29 = vector.load %arg3[%get3A_27, %get3A_28] : memref<2x320000xi32, #tpu.memory_space<vmem>>, vector<2x320000xi32>
    %reshape3A = vector.shape_cast %get3A_29 : vector<2x320000xi32> to vector<2x2500x128xi32>
    %swap3A_30 = arith.constant 0 : index
    %swap3A_31 = arith.constant 0 : index
    %swap3A_32 = arith.constant 0 : index
    %swap3A_33 = vector.load %arg7[%swap3A_30, %swap3A_31, %swap3A_32] : memref<2x2560x128xi32, #tpu.memory_space<vmem>>, vector<2x2500x128xi32>
    tpu.vector_store %arg7[%swap3A_30, %swap3A_31, %swap3A_32], %reshape3A {strides = array<i32>} : memref<2x2560x128xi32, #tpu.memory_space<vmem>>, vector<2x2500x128xi32>,
    %broadcast_in_dim3A_34 = arith.constant 10000 : i32
    %broadcast_in_dim3A_35 = vector.broadcast %broadcast_in_dim3A_34 : i32 to vector<2x60x128xi32>
    %swap3A_36 = arith.constant 0 : index
    %swap3A_37 = arith.constant 2500 : index
    %swap3A_38 = arith.constant 0 : index
    %swap3A_39 = vector.load %arg7[%swap3A_36, %swap3A_37, %swap3A_38] : memref<2x2560x128xi32, #tpu.memory_space<vmem>>, vector<2x60x128xi32>
    tpu.vector_store %arg7[%swap3A_36, %swap3A_37, %swap3A_38], %broadcast_in_dim3A_35 {strides = array<i32>} : memref<2x2560x128xi32, #tpu.memory_space<vmem>>, vector<2x60x128xi32>,
    return
  }
}

</mosaic_0001>

<sc_bundles>
// kernel: kernel.6.cloned.1.call-start
scs
__scs_entry_jumppad:
0x0: {  	(pc) =	sbr.rel $0x88, $3  }
0x1: {  	(tag) =	ssettag $0x0;
	lr =	simm.s32 $0x1  }
0x2: {  	[smem:$0x3F9B] =	sst lr;
	_ =	strace $0xD0000000  }
0x3: {  	_ = 	snop  }
0x4: {  	_ = 	snop  }
0x5: {  	_ = 	snop  }
0x6: {  	_ = 	snop  }
0x7: {  	_ = 	snop  }
__scs_overlays_trampoline_lowered:
0x8: {  	[smem:$0x3FAA] =	sst s0  }
0x9: {  	[smem:$0x3FAB] =	sst s1  }
0xa: {  	[smem:$0x3FAC] =	sst s2  }
0xb: {  	[smem:$0x3FAD] =	sst s3  }
0xc: {  	[smem:$0x3FAE] =	sst s4  }
0xd: {  	[smem:$0x3FAF] =	sst s5  }
0xe: {  	[smem:$0x3FB0] =	sst s6  }
0xf: {  	[smem:$0x3FB1] =	sst s7  }
0x10: {  	[smem:$0x3FB2] =	sst s8  }
0x11: {  	[smem:$0x3FB3] =	sst s9;
	s0 =	simm.s32 @!p0 $0x0  }
0x12: {  	s1 =	sld [smem:$0x3F99];
	s0 =	simm.s32 @p0 $0x1  }
0x13: {  	[smem:$0x3FB4] =	sst s0;
	s0 =	simm.s32 @!p1 $0x0  }
0x14: {  	s2 =	sld [smem:$0x3F98];
	s0 =	simm.s32 @p1 $0x1  }
0x15: {  	[smem:$0x3FB5] =	sst s0;
	s0 =	simm.s32 @!p2 $0x0  }
0x16: {  	s3 =	sld [smem:$0x3FDB];
	s0 =	simm.s32 @p2 $0x1  }
0x17: {  	s4 =	simm.s32 $0x1BF5;
	[smem:$0x3FB7] =	sst s0  }
0x18: {  	s0 =	sld [smem:$0x3F9A];
	_ =	swait.ge [sflag:s4], $0x0  }
0x19: {  	s7 =	sld [smem:$0x3F9B]  }
0x1a: {  	s8 =	sadd.s32 $0xFFFFE003, lr  }
0x1b: {  	s9 =	sadd.s32 $0xFFFFFEF7, lr;
	s5 =	simm.s32 $0xFFFFFFFF;
	p2 =	slt.u32 s8, $0xFFFFF086  }
0x1c: {  	p1 =	slt.u32 s9, $0xF7A;
	s5 =	simm.s32 @!p2 $0x0  }
0x1d: {  	s5 =	simm.s32 @p1 $0x1;
	p0 =	seq.s32 s7, s2  }
0x1e: {  	s7 =	smul.u32 @!p0 $0xF7A, s2;
	p2 =	seq.s32 @!p0 s5, $0x0  }
0x1f: {  	s9 =	smul.u32 $0xF7A, s1;
	s8 =	simm.s32 @!p0 $0x1BF5;
	p2 =	por !p2, p0  }
0x20: {  	[sflag:s8] =	ssyncset.s32 @!p0 $0xFFFFF086;
	s6 =	sadd.s32 @!p0 s3, s7;
	s7 =	simm.s32 @!p0 $0x108  }
0x21: {  	s3 =	sadd.s32 s3, s9;
	s6 =	sadd.s32 @!p0 $0x88, s6;
	s7 =	simm.s32 @p2 $0x1082  }
0x22: {  	[simem:s7], [sflag:s8] =	dma.local @!p0 [hbm:s6], $0xF7A  }
0x23: {  	s9 =	sor.u32 $0xD0000000, s2;
	s6 =	simm.s32 $0x108;
	_ =	swait.ge @!p0 [sflag:s8], $0x0  }
0x24: {  	s3 =	sadd.s32 $0x88, s3;
	s6 =	simm.s32 @!p1 $0x1082;
	[sflag:s4] =	ssyncset.s32 $0xFFFFF086  }
0x25: {  	[simem:s6], [sflag:s4] =	dma.local [hbm:s3], $0xF7A  }
0x26: {  	[smem:$0x3F9B] =	sst s1;
	(tag) =	ssettag s2;
	_ =	strace s9  }
0x27: {  	s1 =	sld [smem:$0x3FAB]  }
0x28: {  	s2 =	sld [smem:$0x3FAC]  }
0x29: {  	s4 =	sld [smem:$0x3FAE]  }
0x2a: {  	p0 =	seq.s32 s5, $0x0;
	s5 =	sld [smem:$0x3FAF]  }
0x2b: {  	s6 =	sld [smem:$0x3FB0]  }
0x2c: {  	s7 =	sld [smem:$0x3FB1]  }
0x2d: {  	s3 =	simm.s32 $0x108;
	s8 =	sld [smem:$0x3FB2]  }
0x2e: {  	s3 =	simm.s32 @!p0 $0x1082;
	s9 =	sld [smem:$0x3FB3]  }
0x2f: {  	lr =	sadd.s32 s0, s3;
	s0 =	sld [smem:$0x3FAA]  }
0x30: {  	s3 =	sld [smem:$0x3FAD]  }
0x31: {  	[smem:$0x3FB6] =	sst s10  }
0x32: {  	s10 =	sld [smem:$0x3FB4];
	_ =	sdelay $0x3  }
0x33: {  	p0 =	seq.s32 s10, $0x1;
	s10 =	sld [smem:$0x3FB6];
	_ =	sdelay $0x3  }
0x34: {  	[smem:$0x3FB6] =	sst s10  }
0x35: {  	s10 =	sld [smem:$0x3FB5];
	_ =	sdelay $0x3  }
0x36: {  	p1 =	seq.s32 s10, $0x1;
	s10 =	sld [smem:$0x3FB6];
	_ =	sdelay $0x3  }
0x37: {  	[smem:$0x3FB6] =	sst s10  }
0x38: {  	s10 =	sld [smem:$0x3FB7]  }
0x39: {  	_ = 	snop;
	(pc) =	sbr.ind lr, $3  }
0x3a: {  	_ = 	snop  }
0x3b: {  	_ = 	snop  }
0x3c: {  	p2 =	seq.s32 s10, $0x1;
	s10 =	sld [smem:$0x3FB6]  }
0x3d: {  	_ =	shalt  }
0x3e: {  	_ =	shalt  }
0x3f: {  	_ =	shalt  }
0x40: {  	_ =	shalt  }
0x41: {  	_ =	shalt  }
0x42: {  	_ =	shalt  }
0x43: {  	_ =	shalt  }
0x44: {  	_ =	shalt  }
0x45: {  	_ =	shalt  }
0x46: {  	_ =	shalt  }
0x47: {  	_ =	shalt  }
0x48: {  	_ =	shalt  }
0x49: {  	_ =	shalt  }
0x4a: {  	_ =	shalt  }
0x4b: {  	_ =	shalt  }
0x4c: {  	_ =	shalt  }
0x4d: {  	_ =	shalt  }
0x4e: {  	_ =	shalt  }
0x4f: {  	_ =	shalt  }
0x50: {  	_ =	shalt  }
0x51: {  	_ =	shalt  }
0x52: {  	_ =	shalt  }
0x53: {  	_ =	shalt  }
0x54: {  	_ =	shalt  }
0x55: {  	_ =	shalt  }
0x56: {  	_ =	shalt  }
0x57: {  	_ =	shalt  }
0x58: {  	_ =	shalt  }
0x59: {  	_ =	shalt  }
0x5a: {  	_ =	shalt  }
0x5b: {  	_ =	shalt  }
0x5c: {  	_ =	shalt  }
0x5d: {  	_ =	shalt  }
0x5e: {  	_ =	shalt  }
0x5f: {  	_ =	shalt  }
0x60: {  	_ =	shalt  }
0x61: {  	_ =	shalt  }
0x62: {  	_ =	shalt  }
0x63: {  	_ =	shalt  }
0x64: {  	_ =	shalt  }
0x65: {  	_ =	shalt  }
0x66: {  	_ =	shalt  }
0x67: {  	_ =	shalt  }
0x68: {  	_ =	shalt  }
0x69: {  	_ =	shalt  }
0x6a: {  	_ =	shalt  }
0x6b: {  	_ =	shalt  }
0x6c: {  	_ =	shalt  }
0x6d: {  	_ =	shalt  }
0x6e: {  	_ =	shalt  }
0x6f: {  	_ =	shalt  }
0x70: {  	_ =	shalt  }
0x71: {  	_ =	shalt  }
0x72: {  	_ =	shalt  }
0x73: {  	_ =	shalt  }
0x74: {  	_ =	shalt  }
0x75: {  	_ =	shalt  }
0x76: {  	_ =	shalt  }
0x77: {  	_ =	shalt  }
0x78: {  	_ =	shalt  }
0x79: {  	_ =	shalt  }
0x7a: {  	_ =	shalt  }
0x7b: {  	_ =	shalt  }
0x7c: {  	_ =	shalt  }
0x7d: {  	_ =	shalt  }
0x7e: {  	_ =	shalt  }
0x7f: {  	_ =	shalt  }
0x80: {  	_ =	shalt  }
0x81: {  	_ =	shalt  }
0x82: {  	_ =	shalt  }
0x83: {  	_ =	shalt  }
0x84: {  	_ =	shalt  }
0x85: {  	_ =	shalt  }
0x86: {  	_ =	shalt  }
0x87: {  	_ =	shalt  }
.Lfunc_end0:
.L_simem_size_0:
called_computation_lowered:
.L_overlay_start_0:
0x88: {  	s2 =	sld [smem:$0x3FD9]  }
0x89: {  	s3 =	sld [smem:$0x3FFE];
	_ =	sdelay $0x1  }
0x8a: {  	s1 =	srdreg.scid  }
0x8b: {  	s0 =	sand.u32 $0x1, s1  }
0x8c: {  	s16 =	sshll.u32 s0, $0xA;
	s2 =	sadd.s32 s3, s2  }
0x8d: {  	s2 =	sadd.s32 s2, s16  }
0x8e: {  	[smem:$0x3FC2] =	sst s2  }
0x8f: {  	_ = 	snop  }
0x90: {  	(tm) =	ssettm $0x1  }
0x91: {  	s17 =	sld [smem:$0x3FFB];
	_ =	sdelay $0x3  }
0x92: {  	_ =	strace s17  }
0x93: {  	s2 =	sld [smem:$0x3FFC];
	_ =	sdelay $0x3  }
0x94: {  	_ =	strace s2  }
0x95: {  	s2 =	sld [smem:$0x3FFD];
	_ =	sdelay $0x3  }
0x96: {  	_ =	strace s2  }
0x97: {  	_ =	strace $0x8FFFFFFF  }
0x98: {  	s18 =	sld [smem:$0x3FDB];
	_ =	sdelay $0x1  }
0x99: {  	s19 =	simm.s32 $_scs_section_size  }
0x9a: {  	s4 =	simm.s32 $_size__tile_overlayer_lowered;
	s5 =	simm.s32 $_tile_overlayer_lowered  }
0x9b: {  	s22 =	simm.s32 $0x1BFF;
	s21 =	sshll.u32 s5, $0x1;
	s2 =	sadd.s32 s19, s18  }
0x9c: {  	s6 =	simm.s32 $0x0;
	s20 =	sshll.u32 s4, $0x1;
	s4 =	sadd.s32 s21, s2  }
0x9d: {  	[timem:s6], [sflag:s22] =	dma.local [hbm:s4], s20  }
0x9e: {  	_ =	swait.ge [sflag:s22], s20  }
0x9f: {  	s3 =	ssub.s32 $0x0, s20;
	[sflag:s22] =	ssyncset.done $0x0  }
0xa0: {  	[sflag:s22] =	ssyncadd.s32 s3;
	_ =	sdelay $0x1  }
0xa1: {  	s23 =	simm.s32 $0x1B8B  }
0xa2: {  	_ =	swait.ge [sflag:s23], $0x1  }
0xa3: {  	[sflag:s23] =	ssyncset.done $0x0  }
0xa4: {  	s25 =	simm.s32 $0x1B8E;
	s24 =	sld [smem:$0x3FFE];
	[sflag:s23] =	ssyncadd.s32 $0xFFFFFFFF  }
0xa5: {  	s26 =	simm.s32 $execute0_lowered;
	[smem:$0x3FD2] =	sst s25  }
0xa6: {  	s4 =	sshll.u32 s26, $0x1;
	_ =	strace $0x80000046;
	[dreg:$0x1] =	wrdreg $0xFFFFFFFF  }
0xa7: {  	s28 =	simm.s32 $_size_execute0_lowered;
	s2 =	sadd.s32 s2, s4;
	[dreg:$0x0] =	wrdreg $0x0  }
0xa8: {  	s4 =	sshll.u32 s28, $0x1;
	[dreg:$0x2] =	wrdreg s2  }
0xa9: {  	[dreg:$0x3] =	wrdreg s4  }
0xaa: {  	[dreg:$0x4] =	wrdreg $0xC0  }
0xab: {  	_ =	task [dreg:s6], $0x5FFFF  }
0xac: {  	[dreg:$0x1] =	wrdreg $0xFFFFFFFF  }
0xad: {  	[dreg:$0x0] =	wrdreg $0x60  }
0xae: {  	[dreg:$0x2] =	wrdreg s24  }
0xaf: {  	[dreg:$0x3] =	wrdreg $0xC7000  }
0xb0: {  	[dreg:$0x4] =	wrdreg $0x9  }
0xb1: {  	_ =	task.clear_ibuf [dreg:s6], $0x5FFFF;
	_ =	strace $0x90000046  }
0xb2: {  	s29 =	simm.s32 $0x9;
	_ =	strace $0x80000048  }
0xb3: {  	_ =	swait.ge [sflag:s29], $0x1  }
0xb4: {  	[sflag:s29] =	ssyncadd.s32 $0xFFFFFFFF  }
0xb5: {  	_ =	strace $0x90000048  }
0xb6: {  	_ =	sfence  }
0xb7: {  	s30 =	sld [smem:$0x0];
	_ =	sdelay $0x2  }
0xb8: {  	s31 =	sshll.u32 s1, $0xD;
	s1 =	sshrl.u32 s1, $0x2  }
0xb9: {  	s3 =	sand.u32 $0x4000, s31;
	s1 =	sadd.s32 s1, s30  }
0xba: {  	s0 =	sor.u32 s3, s0;
	s1 =	sshll.u32 s1, $0x11  }
0xbb: {  	s0 =	sor.u32 s1, s0  }
0xbc: {  	s0 =	sadd.s32 $0x8F2B, s0  }
0xbd: {  	[sflag:s0] =	ssyncadd.remote.s32 $0x1  }
0xbe: {  	_ =	sfence.sel $0xFFFF  }
0xbf: {  	[dreg:$0x0] =	wrdreg $0xFFFFFFFF;
	(pc) =	sbr.abs _section_cstart, $3  }
0xc0: {  	[dreg:$0x1] =	wrdreg $0xFFFFFFFF  }
0xc1: {  	_ =	task.clear_ibuf [dreg:s6], $0x2FFFF;
	_ =	strace $0x9FFFFFFF  }
0xc2: {  	(tm) =	ssettm $0x7FFFFFFF  }
0xc3: {  	_ =	shalt  }
tec
execute0_lowered:
.L_overlay_start_1:
0x0: {  	(tag) =	ssettag $0x1  }
0x1: {  	s6 =	rddreg [dreg:$0x0]  }
0x2: {  	s20 =	rddreg [dreg:$0x1]  }
0x3: {  	s2 =	srdreg.scid;
	s0 =	rddreg [dreg:$0x2];
	s1 =	simm.s32 $0x0  }
0x4: {  	s18 =	stileid.u32;
	s13 =	simm.s32 $0x7780;
	s17 =	simm.s32 $0x1  }
0x5: {  	s19 =	simm.s32 $0x2;
	s21 =	simm.s32 $0x0;
	s8 =	sand.u32 $0x1, s2  }
0x6: {  	[smem:$0x7FF] =	sst s1;
	s3 =	sadd.s32 $0x17200, s6;
	s5 =	sadd.s32 $0x17E00, s6  }
0x7: {  	p0 =	seq.s32 s18, $0x0;
	p2 =	sne.s32 s18, $0x0;
	s2 =	sshll.u32 s8, $0x4  }
0x8: {  	_ =	strace $0x80000047;
	s9 =	smul.u32 $0x4F0, s8;
	s10 =	ssub.s32 $0x2, s8  }
0x9: {  	p1 =	seq.s32 s8, $0x1;
	s31 =	sor.u32 s8, s18;
	s4 =	sor.u32 s18, s2  }
0xa: {  	s2 =	sadd.s32 $0x16C00, s6;
	s11 =	sshrl.u32 s10, $0x1;
	p0 =	por !p0, !p1  }
0xb: {  	p1 =	sne.s32 s31, $0x0;
	s7 =	smul.u32 $0x2800, s4;
	s4 =	sadd.s32 $0x17800, s6  }
0xc: {  	s9 =	sadd.s32 s9, s6;
	s10 =	ssub.s32 s10, s11;
	p0 =	por !p0, !p0  }
0xd: {  	s11 =	simm.s32 $0x2800;
	s14 =	sshll.u32 @!p1 s18, $0x6;
	s15 =	sshrl.u32 @!p1 s20, $0x3  }
0xe: {  	s18 =	simm.s32 $0x9F00;
	s9 =	sadd.s32 $0x22400, s9;
	s7 =	sshrl.u32 s7, $0x3  }
0xf: {  	s10 =	smax.u32 s10, $0x1;
	s14 =	sor.u32 @!p1 $0x1C02, s14;
	s12 =	sadd.s32 s7, s6  }
0x10: {  	s16 =	sshrl.u32 @p0 s20, $0x3;
	s20 =	sshrl.u32 @!p2 s20, $0x3;
	s6 =	sadd.s32 $0x2C00, s12  }
0x11: {  	s7 =	sadd.s32 $0xCC00, s12;
	s8 =	sadd.s32 $0x18400, s12;
	s12 =	simm.s32 $0x5000  }
.LBB2_1:
0x12: {  	[tilespmem:s1], [sflag:$0x1] =	stream.linear.gather [hbm4b:s6+s1], $0x2800, $0x38;
	[tilespmem:$0xC978] =	vst v63  }
0x13: {  	_ = 	snop  }
0x14: {  	[tilespmem:s11], [sflag:$0x1] =	stream.linear.gather [hbm4b:s7+s1], $0x2800, $0x38;
	[tilespmem:$0xC978] =	vst v63  }
0x15: {  	_ = 	snop  }
0x16: {  	[tilespmem:s12], [sflag:$0x1] =	stream.linear.gather [hbm4b:s2+s1], $0x2780, $0x38;
	[tilespmem:$0xC978] =	vst v63  }
0x17: {  	s22 =	simm.s32 @!p1 $0x2  }
0x18: {  	[tilespmem:s13], [sflag:$0x1] =	stream.linear.gather [hbm4b:s3+s1], $0x2780, $0x38;
	[tilespmem:$0xC978] =	vst v63  }
0x19: {  	[spmem:s15], [sflag:s14] =	dma.local @!p1 [hbm:s4], $0x4F0  }
0x1a: {  	_ =	swait.ge @!p1 [sflag:s22], $0x4F0  }
0x1b: {  	[sflag:s22] =	ssyncset.done @!p1 $0x0  }
0x1c: {  	[sflag:s22] =	ssyncadd.s32 @!p1 $0xFFFFFB10;
	s22 =	simm.s32 @p0 $0x1C02  }
0x1d: {  	[spmem:s16], [sflag:s22] =	dma.local @p0 [hbm:s5], $0x4F0  }
0x1e: {  	s22 =	simm.s32 @p0 $0x2  }
0x1f: {  	_ =	swait.ge @p0 [sflag:s22], $0x4F0  }
0x20: {  	[sflag:s22] =	ssyncset.done @p0 $0x0  }
0x21: {  	[sflag:s22] =	ssyncadd.s32 @p0 $0xFFFFFB10  }
0x22: {  	_ =	swait.ge [sflag:s17], $0x2800  }
0x23: {  	[sflag:s17] =	ssyncset.done $0x0  }
0x24: {  	[sflag:s17] =	ssyncadd.s32 $0xFFFFD800  }
0x25: {  	_ =	swait.ge [sflag:s17], $0x2800  }
0x26: {  	[sflag:s17] =	ssyncset.done $0x0  }
0x27: {  	[sflag:s17] =	ssyncadd.s32 $0xFFFFD800  }
0x28: {  	_ =	swait.ge [sflag:s17], $0x2780  }
0x29: {  	[sflag:s17] =	ssyncset.done $0x0  }
0x2a: {  	[sflag:s17] =	ssyncadd.s32 $0xFFFFD880  }
0x2b: {  	_ =	swait.ge [sflag:s17], $0x2780  }
0x2c: {  	[sflag:s17] =	ssyncset.done $0x0  }
0x2d: {  	[sflag:s17] =	ssyncadd.s32 $0xFFFFD880  }
0x2e: {  	s23 =	simm.s32 $0x0;
	[bflag:$0x0] =	sbarrier.arrive $0xFFFF  }
0x2f: {  	v0 =	vld [tilespmem:s23+$0x2860]  }
0x30: {  	v1 =	vld [tilespmem:s23+$0x60]  }
0x31: {  	v2 =	vld [tilespmem:s23+$0x2870]  }
0x32: {  	v3 =	vld [tilespmem:s23+$0x50]  }
0x33: {  	v4 =	vld [tilespmem:s23+$0x70]  }
0x34: {  	v5 =	vld [tilespmem:s23+$0x40]  }
0x35: {  	v6 =	vld [tilespmem:s23+$0x2800]  }
0x36: {  	v7 =	vld [tilespmem:s23+$0x20]  }
0x37: {  	v8 =	vld [tilespmem:s23+$0x2840]  }
0x38: {  	v9 =	vld [tilespmem:s23+$0x2820]  }
0x39: {  	v10 =	vld [tilespmem:s23+$0x2850]  }
0x3a: {  	v11 =	vld [tilespmem:s23+$0x2830]  }
0x3b: {  	v12 =	vld [tilespmem:s23+$0x2810]  }
0x3c: {  	s22 =	simm.s32 $0x80;
	v14 =	vld [tilespmem:s23+$0x10];
	v2 =	vcvt.s32.f32 v2;
	v1 =	vcvt.s32.f32 v1  }
0x3d: {  	v17 =	vld [tilespmem:s22+$0x50];
	v0 =	vcvt.s32.f32 v0;
	v7 =	vcvt.s32.f32 v7  }
0x3e: {  	v13 =	vld [tilespmem:s23+$0x0];
	v9 =	vcvt.s32.f32 v9;
	v3 =	vcvt.s32.f32 v3  }
0x3f: {  	v18 =	vld [tilespmem:s22+$0x40];
	v6 =	vcvt.s32.f32 v6;
	v5 =	vcvt.s32.f32 v5  }
0x40: {  	v11 =	vcvt.s32.f32 v11;
	v8 =	vcvt.s32.f32 v8  }
0x41: {  	v19 =	vld [tilespmem:s22+$0x60];
	v14 =	vcvt.s32.f32 v14;
	v4 =	vcvt.s32.f32 v4  }
0x42: {  	v17 =	vcvt.s32.f32 v17;
	v0 =	vadd.f32 v0, v1;
	v1 =	vcvt.s32.f32 v10  }
0x43: {  	v13 =	vcvt.s32.f32 v13;
	v12 =	vcvt.s32.f32 v12;
	v10 =	vld [tilespmem:s23+$0x30];
	v7 =	vadd.f32 v9, v7  }
0x44: {  	s24 =	simm.s32 $0x100;
	v18 =	vcvt.s32.f32 v18;
	v9 =	vld [tilespmem:s22+$0x2860];
	v15 =	vmul.f32 $2.000000030e-01, v0;
	v1 =	vadd.f32 v1, v3  }
0x45: {  	v6 =	vadd.f32 v6, v13;
	v13 =	vld [tilespmem:s24+$0x50];
	v28 =	vadd.f32 v12, v14;
	v16 =	vmul.f32 $2.000000030e-01, v7  }
0x46: {  	v19 =	vcvt.s32.f32 v19;
	v3 =	vld [tilespmem:s22+$0x2870];
	v0 =	vmax.f32 v0, v15;
	v15 =	vmul.f32 $2.000000030e-01, v1  }
0x47: {  	v22 =	vld [tilespmem:s22+$0x2830];
	v5 =	vadd.f32 v8, v5;
	v62 =	vmul.f32 $2.000000030e-01, v28;
	v7 =	vmax.f32 v7, v16  }
0x48: {  	v7 =	vmul.f32 $1.442695020e+00, v7;
	v8 =	vcvt.s32.f32 v10;
	v10 =	vld [tilespmem:s22+$0x20];
	v1 =	vmax.f32 v1, v15  }
0x49: {  	v9 =	vcvt.s32.f32 v9;
	v15 =	vmul.f32 $1.442695020e+00, v1;
	v1 =	vadd.f32 v2, v4;
	v4 =	vld [tilespmem:s22+$0x2820]  }
0x4a: {  	v16 =	vld [tilespmem:s22+$0x2800];
	v0 =	vmul.f32 $1.442695020e+00, v0;
	v13 =	vcvt.s32.f32 v13  }
0x4b: {  	v24 =	vld [tilespmem:s22+$0x10];
	v3 =	vcvt.s32.f32 v3;
	(erf) = vpow2.f32 v7;
	v9 =	vadd.f32 v9, v19  }
0x4c: {  	v2 =	vmul.f32 $2.000000030e-01, v5;
	v7 =	vld [tilespmem:s22+$0x2840];
	(erf) = vpow2.f32 v0  }
0x4d: {  	v23 =	vld [tilespmem:s22+$0x2850];
	v0 =	vcvt.s32.f32 v22;
	v22 =	vmul.f32 $2.000000030e-01, v9  }
0x4e: {  	v20 =	vld [tilespmem:s22+$0x70];
	v8 =	vadd.f32 v11, v8;
	v10 =	vcvt.s32.f32 v10;
	v4 =	vcvt.s32.f32 v4  }
0x4f: {  	v11 =	vld [tilespmem:s22+$0x30];
	v21 =	vmul.f32 $2.000000030e-01, v1;
	v16 =	vcvt.s32.f32 v16;
	v2 =	vmax.f32 v5, v2  }
0x50: {  	v9 =	vmax.f32 v9, v22;
	v22 =	vmul.f32 $1.442695020e+00, v2;
	v4 =	vadd.f32 v4, v10  }
0x51: {  	v25 =	vld [tilespmem:s24+$0x2870];
	v2 =	vcvt.s32.f32 v24;
	v7 =	vcvt.s32.f32 v7  }
0x52: {  	v19 =	vld [tilespmem:s22+$0x0];
	v1 =	vmax.f32 v1, v21;
	v10 =	vcvt.s32.f32 v23;
	v23 =	vmul.f32 $2.000000030e-01, v4  }
0x53: {  	v5 =	vld [tilespmem:s24+$0x2860];
	v1 =	vmul.f32 $1.442695020e+00, v1;
	v18 =	vadd.f32 v7, v18;
	v7 =	vcvt.s32.f32 v20  }
0x54: {  	v21 =	vld [tilespmem:s22+$0x2810];
	v11 =	vcvt.s32.f32 v11;
	v4 =	vmax.f32 v4, v23;
	v23 =	vmul.f32 $1.442695020e+00, v9;
	v9 =	vpop (erf)  }
0x55: {  	(erf) = vpow2.f32 v1;
	v10 =	vadd.f32 v10, v17;
	v17 =	vld [tilespmem:s24+$0x60];
	v26 =	vadd.f32 v3, v7;
	[tilespmem:s23+$0x9F20] =	vst v9  }
0x56: {  	(erf) = vpow2.f32 v22;
	v3 =	vmul.f32 $2.000000030e-01, v6;
	v9 =	vld [tilespmem:s24+$0x2800]  }
0x57: {  	v60 =	vmul.f32 $2.000000030e-01, v18;
	v12 =	vmul.f32 $2.000000030e-01, v26;
	v27 =	vpop (erf);
	v20 =	vld [tilespmem:s24+$0x40]  }
0x58: {  	v59 =	vmul.f32 $1.442695020e+00, v4;
	v4 =	vmul.f32 $2.000000030e-01, v10;
	v7 =	vld [tilespmem:s24+$0x70];
	[tilespmem:s23+$0x9F60] =	vst v27  }
0x59: {  	v6 =	vmax.f32 v6, v3;
	(erf) = vpow2.f32 v15;
	v3 =	vadd.f32 v0, v11;
	v22 =	vld [tilespmem:s24+$0x20]  }
0x5a: {  	v11 =	vmul.f32 $1.442695020e+00, v6;
	v1 =	vmax.f32 v10, v4;
	v10 =	vmul.f32 $2.000000030e-01, v8;
	v27 =	vld [tilespmem:s24+$0x2820]  }
0x5b: {  	v4 =	vcvt.s32.f32 v25;
	v29 =	vld [tilespmem:s24+$0x2830];
	v17 =	vcvt.s32.f32 v17  }
0x5c: {  	v15 =	vmax.f32 v18, v60;
	v61 =	vld [tilespmem:s24+$0x2850];
	(erf) = vpow2.f32 v59;
	v1 =	vmul.f32 $1.442695020e+00, v1  }
0x5d: {  	(erf) = vpow2.f32 v23;
	v18 =	vmax.f32 v8, v10;
	v8 =	vcvt.s32.f32 v5  }
0x5e: {  	v6 =	vmax.f32 v26, v12;
	v0 =	vcvt.s32.f32 v9;
	v12 =	vcvt.s32.f32 v20  }
0x5f: {  	v24 =	vmax.f32 v28, v62;
	v14 =	vld [tilespmem:s24+$0x2840];
	v9 =	vcvt.s32.f32 v19;
	v20 =	vcvt.s32.f32 v21  }
0x60: {  	v5 =	vld [tilespmem:s24+$0x2810];
	v19 =	vadd.f32 v8, v17;
	v22 =	vcvt.s32.f32 v22;
	v63 =	vcvt.s32.f32 v27  }
0x61: {  	v17 =	vld [tilespmem:s24+$0x10];
	v10 =	vcvt.s32.f32 v29;
	v23 =	vcvt.s32.f32 v61;
	v9 =	vadd.f32 v16, v9;
	v8 =	vpop (erf)  }
0x62: {  	s28 =	simm.s32 $0x600;
	v16 =	vmul.f32 $1.442695020e+00, v6;
	v6 =	vld [tilespmem:s24+$0x0];
	[tilespmem:s23+$0x9F70] =	vst v8;
	v21 =	vadd.f32 v63, v22;
	v22 =	vmul.f32 $1.442695020e+00, v24;
	v8 =	vpop (erf)  }
.LBB2_2:
0x63: {  	s25 =	smov.u32 s28  }
0x64: {  	s26 =	sshra.s32 s28, $0x2;
	v24 =	vld [tilespmem:s24+$0x30];
	v25 =	vmul.f32 $2.000000030e-01, v19;
	v26 =	vadd.f32 v20, v2;
	v18 =	vmul.f32 $1.442695020e+00, v18;
	v20 =	vpop (erf);
	s25 =	sadd.s32 $0x200, s28  }
0x65: {  	p3 =	sne.s32 s28, $0x9E00;
	v14 =	vcvt.s32.f32 v14;
	v28 =	vmul.f32 $2.000000030e-01, v21;
	v13 =	vadd.f32 v23, v13;
	v27 =	vld [tilespmem:s26+$0x2860]  }
0x66: {  	v15 =	vmul.f32 $1.442695020e+00, v15;
	v25 =	vmax.f32 v19, v25;
	v23 =	vld [tilespmem:s26+$0x60];
	(erf) = vpow2.f32 v22  }
0x67: {  	v2 =	vcvt.s32.f32 v17;
	v17 =	vmax.f32 v21, v28;
	v21 =	vmul.f32 $1.442695020e+00, v25;
	v22 =	vld [tilespmem:s26+$0x2870];
	v19 =	vpop (erf)  }
0x68: {  	v28 =	vadd.f32 v14, v12;
	v17 =	vmul.f32 $1.442695020e+00, v17;
	v25 =	vld [tilespmem:s26+$0x50];
	[tilespmem:s22+$0x9F20] =	vst v19;
	(erf) = vpow2.f32 v16  }
0x69: {  	v14 =	vmul.f32 $2.000000030e-01, v13;
	v12 =	vld [tilespmem:s26+$0x70];
	(erf) = vpow2.f32 v11  }
0x6a: {  	v7 =	vcvt.s32.f32 v7;
	v16 =	vld [tilespmem:s26+$0x40];
	v11 =	vpop (erf);
	(erf) = vpow2.f32 v18  }
0x6b: {  	v19 =	vcvt.s32.f32 v24;
	v13 =	vmax.f32 v13, v14;
	v24 =	vmul.f32 $2.000000030e-01, v3;
	v18 =	vld [tilespmem:s26+$0x2800];
	[tilespmem:s22+$0x9F60] =	vst v11  }
0x6c: {  	v31 =	vmul.f32 $2.000000030e-01, v9;
	v30 =	vmul.f32 $1.442695020e+00, v13;
	v11 =	vadd.f32 v4, v7;
	v29 =	vld [tilespmem:s26+$0x20]  }
0x6d: {  	v4 =	vcvt.s32.f32 v22;
	v22 =	vmul.f32 $2.000000030e-01, v28;
	v14 =	vld [tilespmem:s26+$0x2840]  }
0x6e: {  	v10 =	vadd.f32 v10, v19;
	v19 =	vmul.f32 $2.000000030e-01, v11;
	v32 =	vld [tilespmem:s26+$0x2830];
	(erf) = vpow2.f32 v15;
	v7 =	vmovc v12  }
0x6f: {  	v9 =	vmax.f32 v9, v31;
	v13 =	vcvt.s32.f32 v25;
	v33 =	vld [tilespmem:s26+$0x2820];
	(erf) = vpow2.f32 v1;
	v1 =	vpop (erf)  }
0x70: {  	v19 =	vmax.f32 v11, v19;
	v11 =	vmul.f32 $1.442695020e+00, v9;
	v25 =	vcvt.s32.f32 v18;
	v31 =	vld [tilespmem:s26+$0x2850];
	[tilespmem:s23+$0x9F10] =	vst v1;
	v1 =	vmovc v30  }
0x71: {  	v15 =	vmax.f32 v28, v22;
	v12 =	vcvt.s32.f32 v16;
	v9 =	vcvt.s32.f32 v6;
	v30 =	vld [tilespmem:s26+$0x2810];
	v22 =	vpop (erf);
	[tilespmem:s23+$0x9F40] =	vst v8  }
0x72: {  	v18 =	vmax.f32 v3, v24;
	v8 =	vcvt.s32.f32 v23;
	v6 =	vld [tilespmem:s26+$0x0];
	(erf) = vpow2.f32 v17;
	[tilespmem:s23+$0x9F50] =	vst v20;
	v3 =	vpop (erf)  }
.Ltmp0:
0x73: {  	v23 =	vmul.f32 $2.000000030e-01, v26;
	v20 =	vcvt.s32.f32 v27;
	v17 =	vld [tilespmem:s26+$0x10];
	[tilespmem:s23+$0x9F00] =	vst v3;
	v24 =	vpop (erf);
	v3 =	vmov v10;
	(pc) =	sbr.rel @p3 .LBB2_2-.Ltmp0, $4  }
0x74: {  	v16 =	vmul.f32 $1.442695020e+00, v19;
	v9 =	vadd.f32 v0, v9;
	v27 =	vcvt.s32.f32 v29;
	v0 =	vmovc v25;
	[tilespmem:s23+$0x9F30] =	vst v24;
	s23 =	smov.u32 s22;
	s22 =	smov.u32 s24;
	s24 =	smov.u32 s26  }
0x75: {  	v24 =	vcvt.s32.f32 v33;
	v19 =	vadd.f32 v20, v8;
	(erf) = vpow2.f32 v21;
	[tilespmem:s23+$0x9F70] =	vst v22  }
0x76: {  	v10 =	vcvt.s32.f32 v32;
	v25 =	vmax.f32 v26, v23;
	v20 =	vcvt.s32.f32 v5;
	v5 =	vmovc v30  }
0x77: {  	s28 =	smov.u32 s25;
	v23 =	vcvt.s32.f32 v31;
	v22 =	vmul.f32 $1.442695020e+00, v25;
	v21 =	vadd.f32 v24, v27;
	v8 =	vpop (erf)  }
0x78: {  	v24 =	vmul.f32 $2.000000030e-01, v19  }
0x79: {  	v18 =	vmul.f32 $1.442695020e+00, v18;
	v14 =	vcvt.s32.f32 v14  }
0x7a: {  	v15 =	vmul.f32 $1.442695020e+00, v15;
	v17 =	vcvt.s32.f32 v17  }
0x7b: {  	v7 =	vcvt.s32.f32 v7;
	v29 =	vmul.f32 $2.000000030e-01, v3  }
0x7c: {  	v31 =	vmul.f32 $2.000000030e-01, v9;
	v6 =	vcvt.s32.f32 v6  }
0x7d: {  	v2 =	vadd.f32 v20, v2;
	v5 =	vcvt.s32.f32 v5;
	v25 =	vmul.f32 $2.000000030e-01, v21  }
0x7e: {  	v13 =	vadd.f32 v23, v13;
	(erf) = vpow2.f32 v22;
	v19 =	vmax.f32 v19, v24  }
0x7f: {  	(erf) = vpow2.f32 v16;
	v9 =	vmax.f32 v9, v31;
	v34 =	vmul.f32 $2.000000030e-01, v2  }
0x80: {  	v21 =	vmax.f32 v21, v25;
	v19 =	vmul.f32 $1.442695020e+00, v19;
	v25 =	vmul.f32 $2.000000030e-01, v13  }
0x81: {  	v3 =	vmax.f32 v3, v29;
	(erf) = vpow2.f32 v11;
	v36 =	vmul.f32 $1.442695020e+00, v9  }
0x82: {  	v4 =	vadd.f32 v4, v7;
	v3 =	vmul.f32 $1.442695020e+00, v3;
	(erf) = vpow2.f32 v18  }
0x83: {  	v26 =	vld [tilespmem:s24+$0x30];
	v27 =	vadd.f32 v14, v12;
	v21 =	vmul.f32 $1.442695020e+00, v21;
	(erf) = vpow2.f32 v15  }
0x84: {  	v33 =	vmul.f32 $2.000000030e-01, v4;
	v2 =	vmax.f32 v2, v34;
	(erf) = vpow2.f32 v1  }
0x85: {  	v37 =	vpop (erf);
	v5 =	vadd.f32 v5, v17;
	v2 =	vmul.f32 $1.442695020e+00, v2;
	(erf) = vpow2.f32 v21  }
0x86: {  	v38 =	vpop (erf);
	v32 =	vmul.f32 $2.000000030e-01, v27;
	v35 =	vmax.f32 v4, v33;
	(erf) = vpow2.f32 v19  }
0x87: {  	v0 =	vadd.f32 v0, v6;
	[tilespmem:s22+$0x9F20] =	vst v38;
	v39 =	vpop (erf);
	v1 =	vmul.f32 $1.442695020e+00, v35;
	(erf) = vpow2.f32 v2  }
0x88: {  	v41 =	vmul.f32 $2.000000030e-01, v5;
	v28 =	vcvt.s32.f32 v26;
	[tilespmem:s22+$0x9F60] =	vst v39;
	v40 =	vpop (erf)  }
0x89: {  	v46 =	vmul.f32 $2.000000030e-01, v0;
	[tilespmem:s23+$0x9F40] =	vst v8;
	(erf) = vpow2.f32 v1;
	v43 =	vpop (erf)  }
0x8a: {  	v11 =	vmax.f32 v27, v32;
	v42 =	vadd.f32 v10, v28;
	[tilespmem:s23+$0x9F50] =	vst v37;
	(erf) = vpow2.f32 v36;
	v45 =	vpop (erf)  }
0x8b: {  	v13 =	vmax.f32 v13, v25;
	v44 =	vmul.f32 $1.442695020e+00, v11;
	[tilespmem:s23+$0x9F10] =	vst v40;
	(erf) = vpow2.f32 v3;
	v47 =	vpop (erf)  }
0x8c: {  	v30 =	vmul.f32 $1.442695020e+00, v13;
	v49 =	vmul.f32 $2.000000030e-01, v42;
	v1 =	vmax.f32 v5, v41;
	[tilespmem:s23+$0x9F00] =	vst v45;
	v48 =	vpop (erf)  }
0x8d: {  	v0 =	vmax.f32 v0, v46;
	v1 =	vmul.f32 $1.442695020e+00, v1;
	(erf) = vpow2.f32 v44;
	[tilespmem:s23+$0x9F30] =	vst v47;
	v50 =	vpop (erf)  }
0x8e: {  	v0 =	vmul.f32 $1.442695020e+00, v0;
	v52 =	vmax.f32 v42, v49;
	(erf) = vpow2.f32 v30;
	[tilespmem:s22+$0x9F70] =	vst v43;
	v51 =	vpop (erf)  }
0x8f: {  	v54 =	vmul.f32 $1.442695020e+00, v52;
	(erf) = vpow2.f32 v1;
	v53 =	vpop (erf);
	[tilespmem:s24+$0x9F20] =	vst v51  }
0x90: {  	(erf) = vpow2.f32 v0;
	[tilespmem:s24+$0x9F60] =	vst v53;
	v55 =	vpop (erf)  }
0x91: {  	(erf) = vpow2.f32 v54;
	[tilespmem:s22+$0x9F10] =	vst v55  }
0x92: {  	v56 =	vpop (erf);
	[tilespmem:s22+$0x9F40] =	vst v48  }
0x93: {  	[tilespmem:s22+$0x9F50] =	vst v50;
	v57 =	vpop (erf)  }
0x94: {  	v58 =	vpop (erf);
	[tilespmem:s22+$0x9F00] =	vst v57  }
0x95: {  	[tilespmem:s22+$0x9F30] =	vst v58  }
0x96: {  	v59 =	vpop (erf);
	[tilespmem:s24+$0x9F70] =	vst v56  }
0x97: {  	v60 =	vpop (erf);
	[tilespmem:s24+$0x9F40] =	vst v59  }
0x98: {  	v61 =	vpop (erf);
	[tilespmem:s24+$0x9F50] =	vst v60  }
0x99: {  	[tilespmem:s24+$0x9F10] =	vst v61;
	v62 =	vpop (erf)  }
0x9a: {  	[tilespmem:s24+$0x9F00] =	vst v62;
	v63 =	vpop (erf)  }
0x9b: {  	[tilespmem:s24+$0x9F30] =	vst v63  }
0x9c: {  	[hbm4b:s8+s1] =	stream.linear.scatter [tilespmem:s18], [sflag:$0x2], $0x2800, $0x38;
	[tilespmem:$0xC978] =	vst v63  }
0x9d: {  	_ =	swait.ge [sflag:s19], $0x2800  }
0x9e: {  	[sflag:s19] =	ssyncset.done $0x0  }
0x9f: {  	s21 =	sadd.s32 $0x1, s21;
	[sflag:s19] =	ssyncadd.s32 $0xFFFFD800  }
0xa0: {  	p3 =	sne.s32 s21, s10;
	s22 =	simm.s32 @!p2 $0x1C02;
	[bflag:$0x0] =	sbarrier.arrive $0xFFFF  }
0xa1: {  	[hbm:s9], [sflag:s22] =	dma.local @!p2 [spmem:s20], $0x4F0  }
.Ltmp1:
0xa2: {  	_ = 	snop;
	(pc) =	sbr.rel @p3 .LBB2_1-.Ltmp1, $4  }
0xa3: {  	s22 =	simm.s32 @!p2 $0x2  }
0xa4: {  	_ =	swait.ge @!p2 [sflag:s22], $0x4F0  }
0xa5: {  	[sflag:s22] =	ssyncset.done @!p2 $0x0  }
0xa6: {  	[sflag:s22] =	ssyncadd.s32 @!p2 $0xFFFFFB10  }
0xa7: {  	_ =	sfence.sel $0x180000  }
0xa8: {  	[bflag:$0x0] =	sbarrier.arrive $0xFFFF  }
0xa9: {  	_ =	strace $0x90000047  }
0xaa: {  	s0 =	sadd.s32 @!p2 $0x100000, s0;
	[bflag:$0x2] =	sbarrier.arrive $0xFFFF  }
0xab: {  	[sflag:s0] =	ssyncadd.tile.s32 @!p2 $0x1;
	_ =	shalt  }
.Lfunc_end2:
_tile_overlayer_lowered:
.L_overlay_start_2:
0xac: {  	(tag) =	ssettag $0x2  }
0xad: {  	s0 =	rddreg [dreg:$0x0];
	s2 =	stileid.u32  }
0xae: {  	s1 =	rddreg [dreg:$0x1];
	p0 =	sne.s32 s2, $0x0  }
0xaf: {  	s3 =	rddreg [dreg:$0x2];
	[bflag:$0x3] =	sbarrier.arrive $0xFFFF;
	s2 =	simm.s32 @!p0 $0x1C02  }
0xb0: {  	[timem:s3], [sflag:s2] =	dma.local @!p0 [hbm:s0], s1  }
0xb1: {  	s0 =	simm.s32 @!p0 $0x2  }
0xb2: {  	_ =	swait.ge @!p0 [sflag:s0], s1  }
0xb3: {  	s1 =	ssub.s32 @!p0 $0x0, s1;
	[sflag:s0] =	ssyncset.done @!p0 $0x0  }
0xb4: {  	[sflag:s0] =	ssyncadd.s32 @!p0 s1  }
0xb5: {  	[bflag:$0x3] =	sbarrier.arrive $0xFFFF  }
0xb6: {  	_ =	shalt  }

// kernel: kernel.9.cloned.1.call-start
scs
__scs_entry_jumppad:
0x0: {  	(pc) =	sbr.rel $0x88, $3  }
0x1: {  	(tag) =	ssettag $0x0;
	lr =	simm.s32 $0x1  }
0x2: {  	[smem:$0x3F9B] =	sst lr;
	_ =	strace $0xD0000000  }
0x3: {  	_ = 	snop  }
0x4: {  	_ = 	snop  }
0x5: {  	_ = 	snop  }
0x6: {  	_ = 	snop  }
0x7: {  	_ = 	snop  }
__scs_overlays_trampoline_lowered:
0x8: {  	[smem:$0x3FAA] =	sst s0  }
0x9: {  	[smem:$0x3FAB] =	sst s1  }
0xa: {  	[smem:$0x3FAC] =	sst s2  }
0xb: {  	[smem:$0x3FAD] =	sst s3  }
0xc: {  	[smem:$0x3FAE] =	sst s4  }
0xd: {  	[smem:$0x3FAF] =	sst s5  }
0xe: {  	[smem:$0x3FB0] =	sst s6  }
0xf: {  	[smem:$0x3FB1] =	sst s7  }
0x10: {  	[smem:$0x3FB2] =	sst s8  }
0x11: {  	[smem:$0x3FB3] =	sst s9;
	s0 =	simm.s32 @!p0 $0x0  }
0x12: {  	s1 =	sld [smem:$0x3F99];
	s0 =	simm.s32 @p0 $0x1  }
0x13: {  	[smem:$0x3FB4] =	sst s0;
	s0 =	simm.s32 @!p1 $0x0  }
0x14: {  	s2 =	sld [smem:$0x3F98];
	s0 =	simm.s32 @p1 $0x1  }
0x15: {  	[smem:$0x3FB5] =	sst s0;
	s0 =	simm.s32 @!p2 $0x0  }
0x16: {  	s3 =	sld [smem:$0x3FDB];
	s0 =	simm.s32 @p2 $0x1  }
0x17: {  	s4 =	simm.s32 $0x1BF5;
	[smem:$0x3FB7] =	sst s0  }
0x18: {  	s0 =	sld [smem:$0x3F9A];
	_ =	swait.ge [sflag:s4], $0x0  }
0x19: {  	s7 =	sld [smem:$0x3F9B]  }
0x1a: {  	s8 =	sadd.s32 $0xFFFFE003, lr  }
0x1b: {  	s9 =	sadd.s32 $0xFFFFFEF7, lr;
	s5 =	simm.s32 $0xFFFFFFFF;
	p2 =	slt.u32 s8, $0xFFFFF086  }
0x1c: {  	p1 =	slt.u32 s9, $0xF7A;
	s5 =	simm.s32 @!p2 $0x0  }
0x1d: {  	s5 =	simm.s32 @p1 $0x1;
	p0 =	seq.s32 s7, s2  }
0x1e: {  	s7 =	smul.u32 @!p0 $0xF7A, s2;
	p2 =	seq.s32 @!p0 s5, $0x0  }
0x1f: {  	s9 =	smul.u32 $0xF7A, s1;
	s8 =	simm.s32 @!p0 $0x1BF5;
	p2 =	por !p2, p0  }
0x20: {  	[sflag:s8] =	ssyncset.s32 @!p0 $0xFFFFF086;
	s6 =	sadd.s32 @!p0 s3, s7;
	s7 =	simm.s32 @!p0 $0x108  }
0x21: {  	s3 =	sadd.s32 s3, s9;
	s6 =	sadd.s32 @!p0 $0x88, s6;
	s7 =	simm.s32 @p2 $0x1082  }
0x22: {  	[simem:s7], [sflag:s8] =	dma.local @!p0 [hbm:s6], $0xF7A  }
0x23: {  	s9 =	sor.u32 $0xD0000000, s2;
	s6 =	simm.s32 $0x108;
	_ =	swait.ge @!p0 [sflag:s8], $0x0  }
0x24: {  	s3 =	sadd.s32 $0x88, s3;
	s6 =	simm.s32 @!p1 $0x1082;
	[sflag:s4] =	ssyncset.s32 $0xFFFFF086  }
0x25: {  	[simem:s6], [sflag:s4] =	dma.local [hbm:s3], $0xF7A  }
0x26: {  	[smem:$0x3F9B] =	sst s1;
	(tag) =	ssettag s2;
	_ =	strace s9  }
0x27: {  	s1 =	sld [smem:$0x3FAB]  }
0x28: {  	s2 =	sld [smem:$0x3FAC]  }
0x29: {  	s4 =	sld [smem:$0x3FAE]  }
0x2a: {  	p0 =	seq.s32 s5, $0x0;
	s5 =	sld [smem:$0x3FAF]  }
0x2b: {  	s6 =	sld [smem:$0x3FB0]  }
0x2c: {  	s7 =	sld [smem:$0x3FB1]  }
0x2d: {  	s3 =	simm.s32 $0x108;
	s8 =	sld [smem:$0x3FB2]  }
0x2e: {  	s3 =	simm.s32 @!p0 $0x1082;
	s9 =	sld [smem:$0x3FB3]  }
0x2f: {  	lr =	sadd.s32 s0, s3;
	s0 =	sld [smem:$0x3FAA]  }
0x30: {  	s3 =	sld [smem:$0x3FAD]  }
0x31: {  	[smem:$0x3FB6] =	sst s10  }
0x32: {  	s10 =	sld [smem:$0x3FB4];
	_ =	sdelay $0x3  }
0x33: {  	p0 =	seq.s32 s10, $0x1;
	s10 =	sld [smem:$0x3FB6];
	_ =	sdelay $0x3  }
0x34: {  	[smem:$0x3FB6] =	sst s10  }
0x35: {  	s10 =	sld [smem:$0x3FB5];
	_ =	sdelay $0x3  }
0x36: {  	p1 =	seq.s32 s10, $0x1;
	s10 =	sld [smem:$0x3FB6];
	_ =	sdelay $0x3  }
0x37: {  	[smem:$0x3FB6] =	sst s10  }
0x38: {  	s10 =	sld [smem:$0x3FB7]  }
0x39: {  	_ = 	snop;
	(pc) =	sbr.ind lr, $3  }
0x3a: {  	_ = 	snop  }
0x3b: {  	_ = 	snop  }
0x3c: {  	p2 =	seq.s32 s10, $0x1;
	s10 =	sld [smem:$0x3FB6]  }
0x3d: {  	_ =	shalt  }
0x3e: {  	_ =	shalt  }
0x3f: {  	_ =	shalt  }
0x40: {  	_ =	shalt  }
0x41: {  	_ =	shalt  }
0x42: {  	_ =	shalt  }
0x43: {  	_ =	shalt  }
0x44: {  	_ =	shalt  }
0x45: {  	_ =	shalt  }
0x46: {  	_ =	shalt  }
0x47: {  	_ =	shalt  }
0x48: {  	_ =	shalt  }
0x49: {  	_ =	shalt  }
0x4a: {  	_ =	shalt  }
0x4b: {  	_ =	shalt  }
0x4c: {  	_ =	shalt  }
0x4d: {  	_ =	shalt  }
0x4e: {  	_ =	shalt  }
0x4f: {  	_ =	shalt  }
0x50: {  	_ =	shalt  }
0x51: {  	_ =	shalt  }
0x52: {  	_ =	shalt  }
0x53: {  	_ =	shalt  }
0x54: {  	_ =	shalt  }
0x55: {  	_ =	shalt  }
0x56: {  	_ =	shalt  }
0x57: {  	_ =	shalt  }
0x58: {  	_ =	shalt  }
0x59: {  	_ =	shalt  }
0x5a: {  	_ =	shalt  }
0x5b: {  	_ =	shalt  }
0x5c: {  	_ =	shalt  }
0x5d: {  	_ =	shalt  }
0x5e: {  	_ =	shalt  }
0x5f: {  	_ =	shalt  }
0x60: {  	_ =	shalt  }
0x61: {  	_ =	shalt  }
0x62: {  	_ =	shalt  }
0x63: {  	_ =	shalt  }
0x64: {  	_ =	shalt  }
0x65: {  	_ =	shalt  }
0x66: {  	_ =	shalt  }
0x67: {  	_ =	shalt  }
0x68: {  	_ =	shalt  }
0x69: {  	_ =	shalt  }
0x6a: {  	_ =	shalt  }
0x6b: {  	_ =	shalt  }
0x6c: {  	_ =	shalt  }
0x6d: {  	_ =	shalt  }
0x6e: {  	_ =	shalt  }
0x6f: {  	_ =	shalt  }
0x70: {  	_ =	shalt  }
0x71: {  	_ =	shalt  }
0x72: {  	_ =	shalt  }
0x73: {  	_ =	shalt  }
0x74: {  	_ =	shalt  }
0x75: {  	_ =	shalt  }
0x76: {  	_ =	shalt  }
0x77: {  	_ =	shalt  }
0x78: {  	_ =	shalt  }
0x79: {  	_ =	shalt  }
0x7a: {  	_ =	shalt  }
0x7b: {  	_ =	shalt  }
0x7c: {  	_ =	shalt  }
0x7d: {  	_ =	shalt  }
0x7e: {  	_ =	shalt  }
0x7f: {  	_ =	shalt  }
0x80: {  	_ =	shalt  }
0x81: {  	_ =	shalt  }
0x82: {  	_ =	shalt  }
0x83: {  	_ =	shalt  }
0x84: {  	_ =	shalt  }
0x85: {  	_ =	shalt  }
0x86: {  	_ =	shalt  }
0x87: {  	_ =	shalt  }
.Lfunc_end0:
.L_simem_size_0:
called_computation.1_lowered:
.L_overlay_start_0:
0x88: {  	s2 =	sld [smem:$0x3FD9]  }
0x89: {  	s3 =	sld [smem:$0x3FFE];
	_ =	sdelay $0x1  }
0x8a: {  	s1 =	srdreg.scid  }
0x8b: {  	s0 =	sand.u32 $0x1, s1  }
0x8c: {  	s16 =	sshll.u32 s0, $0xA;
	s2 =	sadd.s32 s3, s2  }
0x8d: {  	s2 =	sadd.s32 s2, s16  }
0x8e: {  	[smem:$0x3FC2] =	sst s2  }
0x8f: {  	_ = 	snop  }
0x90: {  	(tm) =	ssettm $0x1  }
0x91: {  	s17 =	sld [smem:$0x3FFB];
	_ =	sdelay $0x3  }
0x92: {  	_ =	strace s17  }
0x93: {  	s2 =	sld [smem:$0x3FFC];
	_ =	sdelay $0x3  }
0x94: {  	_ =	strace s2  }
0x95: {  	s2 =	sld [smem:$0x3FFD];
	_ =	sdelay $0x3  }
0x96: {  	_ =	strace s2  }
0x97: {  	_ =	strace $0x8FFFFFFF  }
0x98: {  	s18 =	sld [smem:$0x3FDB];
	_ =	sdelay $0x1  }
0x99: {  	s19 =	simm.s32 $_scs_section_size  }
0x9a: {  	s4 =	simm.s32 $_size__tile_overlayer_lowered;
	s5 =	simm.s32 $_tile_overlayer_lowered  }
0x9b: {  	s22 =	simm.s32 $0x1BFF;
	s21 =	sshll.u32 s5, $0x1;
	s2 =	sadd.s32 s19, s18  }
0x9c: {  	s6 =	simm.s32 $0x0;
	s20 =	sshll.u32 s4, $0x1;
	s4 =	sadd.s32 s21, s2  }
0x9d: {  	[timem:s6], [sflag:s22] =	dma.local [hbm:s4], s20  }
0x9e: {  	_ =	swait.ge [sflag:s22], s20  }
0x9f: {  	s3 =	ssub.s32 $0x0, s20;
	[sflag:s22] =	ssyncset.done $0x0  }
0xa0: {  	[sflag:s22] =	ssyncadd.s32 s3;
	_ =	sdelay $0x1  }
0xa1: {  	s23 =	simm.s32 $0x1B8B  }
0xa2: {  	_ =	swait.ge [sflag:s23], $0x1  }
0xa3: {  	[sflag:s23] =	ssyncset.done $0x0  }
0xa4: {  	s25 =	simm.s32 $0x1B8E;
	s24 =	sld [smem:$0x3FFE];
	[sflag:s23] =	ssyncadd.s32 $0xFFFFFFFF  }
0xa5: {  	s26 =	simm.s32 $execute0_lowered;
	[smem:$0x3FD2] =	sst s25  }
0xa6: {  	s4 =	sshll.u32 s26, $0x1;
	_ =	strace $0x80000049;
	[dreg:$0x1] =	wrdreg $0xFFFFFFFF  }
0xa7: {  	s28 =	simm.s32 $_size_execute0_lowered;
	s2 =	sadd.s32 s2, s4;
	[dreg:$0x0] =	wrdreg $0x0  }
0xa8: {  	s4 =	sshll.u32 s28, $0x1;
	[dreg:$0x2] =	wrdreg s2  }
0xa9: {  	[dreg:$0x3] =	wrdreg s4  }
0xaa: {  	[dreg:$0x4] =	wrdreg $0xC0  }
0xab: {  	_ =	task [dreg:s6], $0x5FFFF  }
0xac: {  	[dreg:$0x1] =	wrdreg $0xFFFFFFFF  }
0xad: {  	[dreg:$0x0] =	wrdreg $0x60  }
0xae: {  	[dreg:$0x2] =	wrdreg s24  }
0xaf: {  	[dreg:$0x3] =	wrdreg $0xEE800  }
0xb0: {  	[dreg:$0x4] =	wrdreg $0x9  }
0xb1: {  	_ =	task.clear_ibuf [dreg:s6], $0x5FFFF;
	_ =	strace $0x90000049  }
0xb2: {  	s29 =	simm.s32 $0x9;
	_ =	strace $0x8000004B  }
0xb3: {  	_ =	swait.ge [sflag:s29], $0x1  }
0xb4: {  	[sflag:s29] =	ssyncadd.s32 $0xFFFFFFFF  }
0xb5: {  	_ =	strace $0x9000004B  }
0xb6: {  	_ =	sfence  }
0xb7: {  	s30 =	sld [smem:$0x0];
	_ =	sdelay $0x2  }
0xb8: {  	s31 =	sshll.u32 s1, $0xD;
	s1 =	sshrl.u32 s1, $0x2  }
0xb9: {  	s3 =	sand.u32 $0x4000, s31;
	s1 =	sadd.s32 s1, s30  }
0xba: {  	s0 =	sor.u32 s3, s0;
	s1 =	sshll.u32 s1, $0x11  }
0xbb: {  	s0 =	sor.u32 s1, s0  }
0xbc: {  	s0 =	sadd.s32 $0x8F2B, s0  }
0xbd: {  	[sflag:s0] =	ssyncadd.remote.s32 $0x1  }
0xbe: {  	_ =	sfence.sel $0xFFFF  }
0xbf: {  	[dreg:$0x0] =	wrdreg $0xFFFFFFFF;
	(pc) =	sbr.abs _section_cstart, $3  }
0xc0: {  	[dreg:$0x1] =	wrdreg $0xFFFFFFFF  }
0xc1: {  	_ =	task.clear_ibuf [dreg:s6], $0x2FFFF;
	_ =	strace $0x9FFFFFFF  }
0xc2: {  	(tm) =	ssettm $0x7FFFFFFF  }
0xc3: {  	_ =	shalt  }
tec
execute0_lowered:
.L_overlay_start_1:
0x0: {  	(tag) =	ssettag $0x1  }
0x1: {  	s4 =	rddreg [dreg:$0x0]  }
0x2: {  	s0 =	srdreg.scid;
	s12 =	rddreg [dreg:$0x1]  }
0x3: {  	s9 =	stileid.u32;
	s1 =	simm.s32 $0x0;
	s11 =	simm.s32 $0x9F80  }
0x4: {  	s13 =	simm.s32 $0x1;
	s2 =	sand.u32 $0x1, s0;
	s0 =	rddreg [dreg:$0x2]  }
0x5: {  	s14 =	simm.s32 $0x0;
	[smem:$0x7FF] =	sst s1;
	s3 =	sshll.u32 s2, $0x4  }
0x6: {  	p0 =	sne.s32 s9, $0x0;
	s5 =	smul.u32 $0x4F0, s2;
	s3 =	sor.u32 s9, s3  }
0x7: {  	_ =	strace $0x8000004A;
	s6 =	ssub.s32 $0x2, s2;
	s3 =	smul.u32 $0x2800, s3  }
0x8: {  	s2 =	sadd.s32 $0x22400, s4;
	s12 =	sshrl.u32 @!p0 s12, $0x3;
	s8 =	sshrl.u32 s6, $0x1  }
0x9: {  	s9 =	simm.s32 $0x2800;
	s8 =	ssub.s32 s6, s8;
	s3 =	sshrl.u32 s3, $0x3  }
0xa: {  	s10 =	sadd.s32 s5, s4;
	s8 =	smax.u32 s8, $0x1;
	s7 =	sadd.s32 s3, s4  }
0xb: {  	s3 =	sadd.s32 $0x17E00, s4;
	s4 =	sadd.s32 $0x2C00, s7;
	s5 =	sadd.s32 $0xCC00, s7  }
0xc: {  	s6 =	sadd.s32 $0x18400, s7;
	s7 =	sadd.s32 $0x16C00, s10;
	s10 =	simm.s32 $0x5000  }
.LBB2_1:
0xd: {  	[tilespmem:s1], [sflag:$0x1] =	stream.linear.gather [hbm4b:s4+s1], $0x2800, $0x38;
	[tilespmem:$0xF0F8] =	vst v63  }
0xe: {  	_ = 	snop  }
0xf: {  	[tilespmem:s9], [sflag:$0x1] =	stream.linear.gather [hbm4b:s5+s1], $0x2800, $0x38;
	[tilespmem:$0xF0F8] =	vst v63  }
0x10: {  	_ = 	snop  }
0x11: {  	[tilespmem:s10], [sflag:$0x1] =	stream.linear.gather [hbm4b:s6+s1], $0x2800, $0x38;
	[tilespmem:$0xF0F8] =	vst v63  }
0x12: {  	s15 =	simm.s32 @!p0 $0x1C02  }
0x13: {  	[tilespmem:s11], [sflag:$0x1] =	stream.linear.gather [hbm4b:s2+s1], $0x4F00, $0x38;
	[tilespmem:$0xF0F8] =	vst v63  }
0x14: {  	[spmem:s12], [sflag:s15] =	dma.local @!p0 [hbm:s3], $0x4F0  }
0x15: {  	s15 =	simm.s32 @!p0 $0x2  }
0x16: {  	_ =	swait.ge @!p0 [sflag:s15], $0x4F0  }
0x17: {  	[sflag:s15] =	ssyncset.done @!p0 $0x0  }
0x18: {  	[sflag:s15] =	ssyncadd.s32 @!p0 $0xFFFFFB10  }
0x19: {  	_ =	swait.ge [sflag:s13], $0x2800  }
0x1a: {  	[sflag:s13] =	ssyncset.done $0x0  }
0x1b: {  	[sflag:s13] =	ssyncadd.s32 $0xFFFFD800  }
0x1c: {  	_ =	swait.ge [sflag:s13], $0x2800  }
0x1d: {  	[sflag:s13] =	ssyncset.done $0x0  }
0x1e: {  	[sflag:s13] =	ssyncadd.s32 $0xFFFFD800  }
0x1f: {  	_ =	swait.ge [sflag:s13], $0x2800  }
0x20: {  	[sflag:s13] =	ssyncset.done $0x0  }
0x21: {  	[sflag:s13] =	ssyncadd.s32 $0xFFFFD800  }
0x22: {  	_ =	swait.ge [sflag:s13], $0x4F00  }
0x23: {  	[sflag:s13] =	ssyncset.done $0x0  }
0x24: {  	s31 =	sand.u32 $0x3FF0, s1;
	[sflag:s13] =	ssyncadd.s32 $0xFFFFB100  }
0x25: {  	v0 =	vld [tilespmem:s31+$0xC700]  }
0x26: {  	v1 =	vld [tilespmem:s11+$0x0];
	_ =	sdelay $0x4  }
0x27: {  	v0 =	vadd.f32 v0, v1  }
0x28: {  	s16 =	simm.s32 $0x10;
	s15 =	simm.s32 $0x7800  }
0x29: {  	s16 =	sand.u32 $0x3FF0, s16;
	[tilespmem:s15+$0x0] =	vst v0  }
0x2a: {  	s17 =	simm.s32 $0x20;
	v0 =	vld [tilespmem:s16+$0xC700];
	s16 =	simm.s32 $0x9F90  }
.LBB2_2:
0x2b: {  	p1 =	sne.s32 s17, $0x2710;
	v1 =	vld [tilespmem:s16+$0x0];
	_ =	sdelay $0x3  }
.Ltmp0:
0x2c: {  	(pc) =	sbr.rel @p1 .LBB2_2-.Ltmp0, $4  }
0x2d: {  	v0 =	vadd.f32 v0, v1  }
0x2e: {  	s15 =	sadd.s32 $0x10, s15  }
0x2f: {  	s18 =	sand.u32 $0x3FF0, s17;
	[tilespmem:s15+$0x0] =	vst v0  }
0x30: {  	s17 =	sadd.s32 $0x10, s17;
	s16 =	sadd.s32 $0x10, s16;
	v0 =	vld [tilespmem:s18+$0xC700]  }
0x31: {  	v1 =	vld [tilespmem:s16+$0x0];
	_ =	sdelay $0x4  }
0x32: {  	v0 =	vadd.f32 v0, v1  }
0x33: {  	s15 =	sadd.s32 $0x10, s15  }
0x34: {  	[tilespmem:s15+$0x0] =	vst v0  }
0x35: {  	s16 =	simm.s32 $0x0;
	[bflag:$0x0] =	sbarrier.arrive $0xFFFF  }
0x36: {  	v0 =	vld [tilespmem:s16+$0x2800];
	_ =	sdelay $0x1  }
0x37: {  	v1 =	vld [tilespmem:s16+$0x2810]  }
0x38: {  	v2 =	vld [tilespmem:s16+$0x2820]  }
0x39: {  	v3 =	vld [tilespmem:s16+$0x2830]  }
0x3a: {  	v0 =	vcvt.s32.f32 v0  }
0x3b: {  	v4 =	vld [tilespmem:s16+$0x2840]  }
0x3c: {  	v1 =	vcvt.s32.f32 v1;
	v0 =	vadd.f32 $1.000000000e+00, v0  }
0x3d: {  	v5 =	vld [tilespmem:s16+$0x2850];
	v2 =	vcvt.s32.f32 v2  }
0x3e: {  	v6 =	vld [tilespmem:s16+$0x2860];
	v1 =	vadd.f32 $1.000000000e+00, v1;
	(erf) = vrcp.f32 v0;
	v0 =	vcvt.s32.f32 v3  }
0x3f: {  	s15 =	simm.s32 $0x80;
	v7 =	vld [tilespmem:s16+$0x2870];
	v2 =	vadd.f32 $1.000000000e+00, v2  }
0x40: {  	v8 =	vld [tilespmem:s15+$0x2800];
	v3 =	vcvt.s32.f32 v4;
	(erf) = vrcp.f32 v1;
	v4 =	vadd.f32 $1.000000000e+00, v0  }
0x41: {  	v9 =	vld [tilespmem:s15+$0x2810];
	(erf) = vrcp.f32 v2  }
0x42: {  	v11 =	vld [tilespmem:s15+$0x2820];
	(erf) = vrcp.f32 v4;
	v4 =	vcvt.s32.f32 v5  }
0x43: {  	v3 =	vadd.f32 $1.000000000e+00, v3;
	v2 =	vld [tilespmem:s16+$0x5000];
	v5 =	vcvt.s32.f32 v6  }
0x44: {  	v12 =	vld [tilespmem:s15+$0x2830];
	v7 =	vcvt.s32.f32 v7;
	v4 =	vadd.f32 $1.000000000e+00, v4  }
0x45: {  	v13 =	vld [tilespmem:s16+$0x5020];
	(erf) = vrcp.f32 v3;
	v10 =	vadd.f32 $1.000000000e+00, v5  }
0x46: {  	v14 =	vld [tilespmem:s16+$0x5030];
	v7 =	vadd.f32 $1.000000000e+00, v7;
	(erf) = vrcp.f32 v4  }
0x47: {  	v3 =	vld [tilespmem:s16+$0x5010];
	v5 =	vpop (erf);
	(erf) = vrcp.f32 v10  }
0x48: {  	v1 =	vld [tilespmem:s15+$0x2840];
	v4 =	vmul.f32 v5, v2;
	(erf) = vrcp.f32 v7  }
0x49: {  	v0 =	vld [tilespmem:s15+$0x2850]  }
0x4a: {  	v6 =	vld [tilespmem:s16+$0x5040]  }
0x4b: {  	v9 =	vcvt.s32.f32 v9;
	v5 =	vld [tilespmem:s16+$0x5050];
	v7 =	vpop (erf)  }
0x4c: {  	v10 =	vcvt.s32.f32 v8;
	v2 =	vld [tilespmem:s16+$0x5060];
	v15 =	vmul.f32 v7, v3;
	[tilespmem:s16+$0x5000] =	vst v4;
	v4 =	vpop (erf)  }
0x4d: {  	v8 =	vcvt.s32.f32 v11;
	v3 =	vld [tilespmem:s16+$0x5070];
	v11 =	vmul.f32 v4, v13;
	v13 =	vpop (erf)  }
0x4e: {  	s17 =	simm.s32 $0x400;
	v7 =	vcvt.s32.f32 v12;
	v4 =	vld [tilespmem:s15+$0x2860];
	[tilespmem:s16+$0x5010] =	vst v15;
	v12 =	vmul.f32 v13, v14;
	v13 =	vpop (erf)  }
.LBB2_4:
0x4f: {  	s18 =	sshra.s32 s17, $0x2;
	p1 =	sne.s32 s17, $0x9E00;
	v10 =	vadd.f32 $1.000000000e+00, v10;
	v1 =	vcvt.s32.f32 v1;
	v14 =	vld [tilespmem:s15+$0x2870];
	[tilespmem:s16+$0x5020] =	vst v11;
	v15 =	vmul.f32 v13, v6;
	v11 =	vpop (erf)  }
0x50: {  	v9 =	vadd.f32 $1.000000000e+00, v9;
	v0 =	vcvt.s32.f32 v0;
	v13 =	vld [tilespmem:s18+$0x2800];
	[tilespmem:s16+$0x5030] =	vst v12;
	v5 =	vmul.f32 v11, v5;
	v11 =	vpop (erf)  }
0x51: {  	v8 =	vadd.f32 $1.000000000e+00, v8;
	v12 =	vld [tilespmem:s18+$0x2810];
	(erf) = vrcp.f32 v10;
	[tilespmem:s16+$0x5040] =	vst v15;
	v2 =	vmul.f32 v11, v2;
	v6 =	vpop (erf)  }
0x52: {  	v7 =	vadd.f32 $1.000000000e+00, v7;
	v11 =	vld [tilespmem:s18+$0x2820];
	(erf) = vrcp.f32 v9;
	[tilespmem:s16+$0x5050] =	vst v5;
	v3 =	vmul.f32 v6, v3  }
0x53: {  	v5 =	vadd.f32 $1.000000000e+00, v1;
	v15 =	vld [tilespmem:s18+$0x2830];
	v4 =	vcvt.s32.f32 v4;
	(erf) = vrcp.f32 v8;
	[tilespmem:s16+$0x5060] =	vst v2  }
0x54: {  	v2 =	vadd.f32 $1.000000000e+00, v0;
	v1 =	vld [tilespmem:s18+$0x2840];
	v6 =	vcvt.s32.f32 v14;
	(erf) = vrcp.f32 v7;
	[tilespmem:s16+$0x5070] =	vst v3;
	s16 =	smov.u32 s15;
	s15 =	smov.u32 s18  }
0x55: {  	v0 =	vld [tilespmem:s15+$0x2850];
	v3 =	vadd.f32 $1.000000000e+00, v4;
	(erf) = vrcp.f32 v5  }
0x56: {  	v4 =	vld [tilespmem:s16+$0x5000];
	v5 =	vadd.f32 $1.000000000e+00, v6;
	(erf) = vrcp.f32 v2  }
0x57: {  	v2 =	vld [tilespmem:s16+$0x5010];
	(erf) = vrcp.f32 v3  }
0x58: {  	v3 =	vld [tilespmem:s16+$0x5020];
	(erf) = vrcp.f32 v5  }
0x59: {  	v14 =	vld [tilespmem:s16+$0x5030]  }
.Ltmp1:
0x5a: {  	v6 =	vld [tilespmem:s16+$0x5040];
	v5 =	vpop (erf);
	(pc) =	sbr.rel @p1 .LBB2_4-.Ltmp1, $4  }
0x5b: {  	v10 =	vcvt.s32.f32 v13;
	v4 =	vmul.f32 v5, v4;
	v5 =	vld [tilespmem:s16+$0x5050];
	v7 =	vpop (erf)  }
0x5c: {  	v9 =	vcvt.s32.f32 v12;
	v12 =	vmul.f32 v7, v2;
	v2 =	vld [tilespmem:s16+$0x5060];
	v7 =	vpop (erf)  }
0x5d: {  	v8 =	vcvt.s32.f32 v11;
	[tilespmem:s16+$0x5000] =	vst v4;
	v11 =	vmul.f32 v7, v3;
	v3 =	vld [tilespmem:s16+$0x5070];
	v13 =	vpop (erf)  }
0x5e: {  	s17 =	sadd.s32 $0x200, s17;
	v7 =	vcvt.s32.f32 v15;
	v4 =	vld [tilespmem:s15+$0x2860];
	[tilespmem:s16+$0x5010] =	vst v12;
	v12 =	vmul.f32 v13, v14;
	v13 =	vpop (erf)  }
0x5f: {  	v10 =	vadd.f32 $1.000000000e+00, v10;
	v14 =	vld [tilespmem:s15+$0x2870];
	v1 =	vcvt.s32.f32 v1;
	v6 =	vmul.f32 v13, v6;
	v37 =	vpop (erf)  }
0x60: {  	[tilespmem:s16+$0x5020] =	vst v11;
	v9 =	vadd.f32 $1.000000000e+00, v9;
	v0 =	vcvt.s32.f32 v0;
	v5 =	vmul.f32 v37, v5;
	v38 =	vpop (erf)  }
0x61: {  	v8 =	vadd.f32 $1.000000000e+00, v8;
	[tilespmem:s16+$0x5030] =	vst v12;
	(erf) = vrcp.f32 v10;
	v2 =	vmul.f32 v38, v2;
	v39 =	vpop (erf)  }
0x62: {  	v7 =	vadd.f32 $1.000000000e+00, v7;
	[tilespmem:s16+$0x5040] =	vst v6;
	(erf) = vrcp.f32 v9;
	v3 =	vmul.f32 v39, v3  }
0x63: {  	v1 =	vadd.f32 $1.000000000e+00, v1;
	[tilespmem:s16+$0x5050] =	vst v5;
	v4 =	vcvt.s32.f32 v4;
	(erf) = vrcp.f32 v8  }
0x64: {  	v0 =	vadd.f32 $1.000000000e+00, v0;
	[tilespmem:s16+$0x5060] =	vst v2;
	v40 =	vcvt.s32.f32 v14;
	(erf) = vrcp.f32 v7  }
0x65: {  	[tilespmem:s16+$0x5070] =	vst v3;
	v41 =	vadd.f32 $1.000000000e+00, v4;
	(erf) = vrcp.f32 v1  }
0x66: {  	v42 =	vld [tilespmem:s15+$0x5000];
	v2 =	vadd.f32 $1.000000000e+00, v40;
	(erf) = vrcp.f32 v0  }
0x67: {  	v43 =	vld [tilespmem:s15+$0x5010];
	(erf) = vrcp.f32 v41  }
0x68: {  	v44 =	vld [tilespmem:s15+$0x5020];
	(erf) = vrcp.f32 v2  }
0x69: {  	v45 =	vld [tilespmem:s15+$0x5030]  }
0x6a: {  	v46 =	vld [tilespmem:s15+$0x5040];
	v47 =	vpop (erf)  }
0x6b: {  	v48 =	vld [tilespmem:s15+$0x5050];
	v1 =	vmul.f32 v47, v42;
	v49 =	vpop (erf)  }
0x6c: {  	v50 =	vld [tilespmem:s15+$0x5060];
	v0 =	vmul.f32 v49, v43;
	v51 =	vpop (erf)  }
0x6d: {  	v53 =	vld [tilespmem:s15+$0x5070];
	[tilespmem:s15+$0x5000] =	vst v1;
	v52 =	vmul.f32 v51, v44;
	v54 =	vpop (erf)  }
0x6e: {  	[tilespmem:s15+$0x5010] =	vst v0;
	v55 =	vmul.f32 v54, v45;
	v56 =	vpop (erf)  }
0x6f: {  	[tilespmem:s15+$0x5020] =	vst v52;
	v57 =	vmul.f32 v56, v46;
	v58 =	vpop (erf)  }
0x70: {  	[tilespmem:s15+$0x5030] =	vst v55;
	v59 =	vmul.f32 v58, v48;
	v60 =	vpop (erf)  }
0x71: {  	[tilespmem:s15+$0x5040] =	vst v57;
	v61 =	vmul.f32 v60, v50;
	v62 =	vpop (erf)  }
0x72: {  	[tilespmem:s15+$0x5050] =	vst v59;
	v63 =	vmul.f32 v62, v53  }
0x73: {  	[tilespmem:s15+$0x5060] =	vst v61  }
0x74: {  	s14 =	sadd.s32 $0x1, s14;
	[tilespmem:s15+$0x5070] =	vst v63  }
0x75: {  	p1 =	sne.s32 s14, s8;
	s15 =	simm.s32 @!p0 $0x1C02;
	[bflag:$0x0] =	sbarrier.arrive $0xFFFF  }
0x76: {  	[hbm:s7], [sflag:s15] =	dma.local @!p0 [spmem:s12], $0x4F0  }
.Ltmp2:
0x77: {  	_ = 	snop;
	(pc) =	sbr.rel @p1 .LBB2_1-.Ltmp2, $4  }
0x78: {  	s15 =	simm.s32 @!p0 $0x2  }
0x79: {  	_ =	swait.ge @!p0 [sflag:s15], $0x4F0  }
0x7a: {  	[sflag:s15] =	ssyncset.done @!p0 $0x0  }
0x7b: {  	[sflag:s15] =	ssyncadd.s32 @!p0 $0xFFFFFB10  }
0x7c: {  	_ =	sfence.sel $0x180000  }
0x7d: {  	[bflag:$0x0] =	sbarrier.arrive $0xFFFF  }
0x7e: {  	_ =	strace $0x9000004A  }
0x7f: {  	s0 =	sadd.s32 @!p0 $0x100000, s0;
	[bflag:$0x2] =	sbarrier.arrive $0xFFFF  }
0x80: {  	[sflag:s0] =	ssyncadd.tile.s32 @!p0 $0x1;
	_ =	shalt  }
.Lfunc_end2:
_tile_overlayer_lowered:
.L_overlay_start_2:
0x81: {  	(tag) =	ssettag $0x2  }
0x82: {  	s0 =	rddreg [dreg:$0x0];
	s2 =	stileid.u32  }
0x83: {  	s1 =	rddreg [dreg:$0x1];
	p0 =	sne.s32 s2, $0x0  }
0x84: {  	s3 =	rddreg [dreg:$0x2];
	[bflag:$0x3] =	sbarrier.arrive $0xFFFF;
	s2 =	simm.s32 @!p0 $0x1C02  }
0x85: {  	[timem:s3], [sflag:s2] =	dma.local @!p0 [hbm:s0], s1  }
0x86: {  	s0 =	simm.s32 @!p0 $0x2  }
0x87: {  	_ =	swait.ge @!p0 [sflag:s0], s1  }
0x88: {  	s1 =	ssub.s32 @!p0 $0x0, s1;
	[sflag:s0] =	ssyncset.done @!p0 $0x0  }
0x89: {  	[sflag:s0] =	ssyncadd.s32 @!p0 s1  }
0x8a: {  	[bflag:$0x3] =	sbarrier.arrive $0xFFFF  }
0x8b: {  	_ =	shalt  }

</sc_bundles>
